<compile_context>
chip_gen: v7x
topology: tpu7x:2x2x1
jax: 0.10.2.dev20260603
libtpu: 0.0.44.dev20260713+nightly
codegen_flags: <defaults>
</compile_context>

<pallas_src>
import jax
import jax.numpy as jnp
from jax import lax
from jax.experimental import pallas as pl
from jax.experimental.pallas import tpu as pltpu
from jax.experimental.pallas import tpu_sc as plsc

NC = 2
NS = 16
CHUNK = 128
DEG_W = 128
ROW_BLK = 1024


def _sc_agg(n_pad, chunks_per_worker):
    rpt = n_pad // NS

    cpw = chunks_per_worker
    slab = cpw // 2

    def body(y_hbm, src_hbm, dst_hbm, zeros_hbm, out0, out1,
             src_slab, dst0, dst1, buf0, buf1, acc, gsem, dsem):
        c = lax.axis_index("c")
        s = lax.axis_index("s")
        w = c * NS + s
        pltpu.sync_copy(zeros_hbm, acc.at[pl.ds(s * rpt, rpt)])
        plsc.subcore_barrier()

        bufs = (buf0, buf1)
        dsts = (dst0, dst1)

        def half(h, carry):
            base = w * cpw + h * slab
            pltpu.sync_copy(src_hbm.at[pl.ds(base, slab)], src_slab)
            pltpu.async_copy(dst_hbm.at[base], dst0, dsem)
            pltpu.async_copy(y_hbm.at[src_slab.at[0]], buf0, gsem)

            def step(g, carry2):
                for b in range(2):
                    j = 2 * g + b
                    pltpu.make_async_copy(y_hbm.at[src_slab.at[j]],
                                          bufs[b], gsem).wait()
                    pltpu.make_async_copy(dst_hbm.at[base], dsts[b],
                                          dsem).wait()

                    @pl.when(j + 1 < slab)
                    def _():
                        pltpu.async_copy(y_hbm.at[src_slab.at[j + 1]],
                                         bufs[1 - b], gsem)
                        pltpu.async_copy(dst_hbm.at[base + j + 1],
                                         dsts[1 - b], dsem)

                    pltpu.sync_copy(bufs[b], acc.at[dsts[b]], add=True)
                return carry2

            lax.fori_loop(0, slab // 2, step, 0)
            return carry

        lax.fori_loop(0, cpw // slab, half, 0)
        plsc.subcore_barrier()

        @pl.when(c == 0)
        def _():
            pltpu.sync_copy(acc.at[pl.ds(s * rpt, rpt)],
                            out0.at[pl.ds(s * rpt, rpt)])

        @pl.when(c == 1)
        def _():
            pltpu.sync_copy(acc.at[pl.ds(s * rpt, rpt)],
                            out1.at[pl.ds(s * rpt, rpt)])

    shape = jax.ShapeDtypeStruct((n_pad, 128), jnp.float32)
    return pl.kernel(
        body,
        mesh=plsc.VectorSubcoreMesh(core_axis_name="c", subcore_axis_name="s"),
        out_type=(shape, shape),
        scratch_types=[
            pltpu.VMEM((slab, CHUNK), jnp.int32),
            pltpu.VMEM((CHUNK,), jnp.int32),
            pltpu.VMEM((CHUNK,), jnp.int32),
            pltpu.VMEM((CHUNK, 128), jnp.float32),
            pltpu.VMEM((CHUNK, 128), jnp.float32),
            pltpu.VMEM_SHARED((n_pad, 128), jnp.float32),
            pltpu.SemaphoreType.DMA,
            pltpu.SemaphoreType.DMA,
        ],
    )


def _sc_deg(n_pad, chunks_per_worker):
    rpt = n_pad // NS

    cpw = chunks_per_worker

    def body(dst_hbm, ones_hbm, zeros_hbm, out0, out1,
             ones_v, dst0, dst1, acc, dsem):
        c = lax.axis_index("c")
        s = lax.axis_index("s")
        w = c * NS + s
        pltpu.sync_copy(zeros_hbm, acc.at[pl.ds(s * rpt, rpt)])
        pltpu.sync_copy(ones_hbm, ones_v)
        base = w * cpw
        dsts = (dst0, dst1)
        pltpu.async_copy(dst_hbm.at[base], dst0, dsem)
        plsc.subcore_barrier()

        def step(g, carry):
            for b in range(2):
                j = 2 * g + b
                pltpu.make_async_copy(dst_hbm.at[base], dsts[b], dsem).wait()

                @pl.when(j + 1 < cpw)
                def _():
                    pltpu.async_copy(dst_hbm.at[base + j + 1], dsts[1 - b],
                                     dsem)

                pltpu.sync_copy(ones_v, acc.at[dsts[b]], add=True)
            return carry

        lax.fori_loop(0, cpw // 2, step, 0)
        plsc.subcore_barrier()

        @pl.when(c == 0)
        def _():
            pltpu.sync_copy(acc.at[pl.ds(s * rpt, rpt)],
                            out0.at[pl.ds(s * rpt, rpt)])

        @pl.when(c == 1)
        def _():
            pltpu.sync_copy(acc.at[pl.ds(s * rpt, rpt)],
                            out1.at[pl.ds(s * rpt, rpt)])

    shape = jax.ShapeDtypeStruct((n_pad, DEG_W), jnp.float32)
    return pl.kernel(
        body,
        mesh=plsc.VectorSubcoreMesh(core_axis_name="c", subcore_axis_name="s"),
        out_type=(shape, shape),
        scratch_types=[
            pltpu.VMEM((CHUNK, DEG_W), jnp.float32),
            pltpu.VMEM((CHUNK,), jnp.int32),
            pltpu.VMEM((CHUNK,), jnp.int32),
            pltpu.VMEM_SHARED((n_pad, DEG_W), jnp.float32),
            pltpu.SemaphoreType.DMA,
        ],
    )


def _dinv_block(d0_ref, d1_ref):
    deg = 1.0 + d0_ref[...][:, :1] + d1_ref[...][:, :1]
    return lax.rsqrt(deg)


def _mm_body(x_ref, w_ref, o_ref):
    o_ref[...] = jnp.dot(x_ref[...], w_ref[...],
                         preferred_element_type=jnp.float32)


def _prep_body(d0_ref, d1_ref, xw_ref, y_ref):
    y_ref[...] = _dinv_block(d0_ref, d1_ref) * xw_ref[...]


def _fuse1_body(d0_ref, d1_ref, p0_ref, p1_ref, xw1_ref, b1_ref, w2_ref,
                xw2_ref, y2_ref):
    dinv = _dinv_block(d0_ref, d1_ref)
    h = jnp.maximum(
        dinv * (p0_ref[...] + p1_ref[...])
        + (dinv * dinv) * xw1_ref[...] + b1_ref[...], 0.0)
    xw2 = jnp.dot(h, w2_ref[...], preferred_element_type=jnp.float32)
    xw2_ref[...] = xw2
    y2_ref[...] = dinv * xw2


def _fuse2_body(d0_ref, d1_ref, p0_ref, p1_ref, xw2_ref, b2_ref, o_ref):
    dinv = _dinv_block(d0_ref, d1_ref)
    o_ref[...] = (dinv * (p0_ref[...] + p1_ref[...])
                  + (dinv * dinv) * xw2_ref[...] + b2_ref[...])


def _row_spec(width):
    return pl.BlockSpec((ROW_BLK, width), lambda i: (i, 0))


def _full_spec(shape):
    return pl.BlockSpec(shape, lambda i: tuple(0 for _ in shape))


def kernel(x, edge_index, W1, b1, W2, b2):
    n, d_in = x.shape
    e = edge_index.shape[1]
    n_pad = ((n + 1 + ROW_BLK - 1) // ROW_BLK) * ROW_BLK
    cpw = -(-e // (NC * NS * CHUNK))
    cpw = ((cpw + 3) // 4) * 4
    e_pad = NC * NS * CHUNK * cpw
    grid = (n_pad // ROW_BLK,)

    pad_idx = n + jnp.arange(e_pad - e, dtype=jnp.int32) % (n_pad - n)
    src = jnp.concatenate([edge_index[0], pad_idx]).reshape(-1, CHUNK)
    dst = jnp.concatenate([edge_index[1], pad_idx]).reshape(-1, CHUNK)
    x_p = jnp.pad(x, ((0, n_pad - n), (0, 0)))
    b1r = b1.reshape(1, -1)
    b2r = b2.reshape(1, -1)

    zeros_deg = jnp.zeros((n_pad // NS, DEG_W), jnp.float32)
    ones_deg = jnp.ones((CHUNK, DEG_W), jnp.float32)
    zeros_agg = jnp.zeros((n_pad // NS, 128), jnp.float32)

    d0, d1 = _sc_deg(n_pad, cpw)(dst, ones_deg, zeros_deg)

    xw1 = pl.pallas_call(
        _mm_body, grid=grid,
        in_specs=[_row_spec(d_in), _full_spec(W1.shape)],
        out_specs=_row_spec(W1.shape[1]),
        out_shape=jax.ShapeDtypeStruct((n_pad, W1.shape[1]), jnp.float32),
    )(x_p, W1)

    dspec = _row_spec(DEG_W)
    y1 = pl.pallas_call(
        _prep_body, grid=grid,
        in_specs=[dspec, dspec, _row_spec(128)],
        out_specs=_row_spec(128),
        out_shape=jax.ShapeDtypeStruct((n_pad, 128), jnp.float32),
    )(d0, d1, xw1)

    agg = _sc_agg(n_pad, cpw)
    p0, p1 = agg(y1, src, dst, zeros_agg)

    xw2, y2 = pl.pallas_call(
        _fuse1_body, grid=grid,
        in_specs=[dspec, dspec, _row_spec(128), _row_spec(128), _row_spec(128),
                  _full_spec(b1r.shape), _full_spec(W2.shape)],
        out_specs=(_row_spec(128), _row_spec(128)),
        out_shape=(jax.ShapeDtypeStruct((n_pad, 128), jnp.float32),
                   jax.ShapeDtypeStruct((n_pad, 128), jnp.float32)),
    )(d0, d1, p0, p1, xw1, b1r, W2)

    q0, q1 = agg(y2, src, dst, zeros_agg)

    out = pl.pallas_call(
        _fuse2_body, grid=grid,
        in_specs=[dspec, dspec, _row_spec(128), _row_spec(128), _row_spec(128),
                  _full_spec(b2r.shape)],
        out_specs=_row_spec(128),
        out_shape=jax.ShapeDtypeStruct((n_pad, 128), jnp.float32),
    )(d0, d1, q0, q1, xw2, b2r)

    return out[:n]

# --- scband reference (transcript-rebuilt; emitter-appended) ---
"""Pipeline reference for scband-gnn-52123723104402 (READ-ONLY COPY).

The authoritative reference and input builder live on the scoring server;
editing this copy changes nothing except your own understanding.
"""

import jax, jax.numpy as jnp
import numpy as np

N = 10000
E = 320000
D_IN = 128
D_HID = 128
D_OUT = 128


def setup_inputs(seed: int = 0) -> dict:
    key = jax.random.key(seed)
    k1, k2, k3, k4 = jax.random.split(key, 4)
    x = jax.random.normal(k1, (N, D_IN), dtype=jnp.float32)
    edge_index = jax.random.randint(k2, (2, E), 0, N, dtype=jnp.int32)
    W1 = jax.random.normal(k3, (D_IN, D_HID), dtype=jnp.float32) * (1.0 / np.sqrt(D_IN))
    b1 = jnp.zeros((D_HID,), dtype=jnp.float32)
    W2 = jax.random.normal(k4, (D_HID, D_OUT), dtype=jnp.float32) * (1.0 / np.sqrt(D_HID))
    b2 = jnp.zeros((D_OUT,), dtype=jnp.float32)
    return {"x": x, "edge_index": edge_index, "W1": W1, "b1": b1, "W2": W2, "b2": b2}


def _gcn_conv(x, edge_index, W, b):
    # Faithful GCNConv: add self-loops, symmetric normalization, linear transform, scatter-add aggregation.
    n = x.shape[0]
    src = edge_index[0]
    dst = edge_index[1]
    loop = jnp.arange(n, dtype=src.dtype)
    src = jnp.concatenate([src, loop])
    dst = jnp.concatenate([dst, loop])
    ew = jnp.ones(src.shape[0], dtype=x.dtype)
    deg = jax.ops.segment_sum(ew, dst, num_segments=n)
    deg_inv_sqrt = jnp.where(deg > 0, 1.0 / jnp.sqrt(deg), 0.0)
    norm = deg_inv_sqrt[src] * deg_inv_sqrt[dst]
    xw = x @ W
    msg = jnp.take(xw, src, axis=0) * norm[:, None]
    out = jax.ops.segment_sum(msg, dst, num_segments=n)
    return out + b


def reference(x, edge_index, W1, b1, W2, b2):
    # Dropout is a no-op in eval mode (training=False).
    h = jax.nn.relu(_gcn_conv(x, edge_index, W1, b1))
    out = _gcn_conv(h, edge_index, W2, b2)
    return out

if __name__ == "__main__":
    import jax
    _d = setup_inputs()
    print(jax.jit(kernel)(*tuple(_d.values())))

</pallas_src>

<mosaic_0001>
#map = affine_map<(d0, d1) -> (0, 0)>
module attributes {stable_mosaic.version = 14 : i64} {
  func.func @body(%arg0: i32, %arg1: i32, %arg2: memref<2560x128xi32, #tpu.memory_space<hbm>>, %arg3: memref<128x128xf32, #tpu.memory_space<hbm>>, %arg4: memref<640x128xf32, #tpu.memory_space<hbm>>, %arg5: memref<10240x128xf32, #tpu.memory_space<hbm>>, %arg6: memref<10240x128xf32, #tpu.memory_space<hbm>>, %arg7: memref<128x128xf32, #tpu.memory_space<vmem>>, %arg8: memref<128xi32, #tpu.memory_space<vmem>>, %arg9: memref<128xi32, #tpu.memory_space<vmem>>, %arg10: memref<10240x128xf32, #tpu.memory_space<vmem_shared>>, %arg11: memref<!tpu.dma_semaphore, #tpu.memory_space<semaphore_mem>>) attributes {dimension_semantics = [#tpu.dimension_semantics<core_parallel>, #tpu.dimension_semantics<subcore_parallel>], iteration_bounds = array<i64: 2, 16>, scalar_prefetch = 0 : i64, scratch_operands = 5 : i64, tpu.core_type = #tpu.core_type<sc_vector_subcore>, window_params = [{transform_indices = #map}, {transform_indices = #map}, {transform_indices = #map}, {transform_indices = #map}, {transform_indices = #map}]} {
    %mul3A = arith.constant 16 : i32
    %mul3A_0 = arith.muli %arg0, %mul3A : i32
    %add3A = arith.addi %mul3A_0, %arg1 : i32
    %mul3A_1 = arith.constant 640 : i32
    %mul3A_2 = arith.muli %arg1, %mul3A_1 : i32
    "tpu.region"() ({
      %run_scoped3A = tpu.sem_alloc : memref<!tpu.dma_semaphore, #tpu.memory_space<semaphore_mem>>
      %dma_start3A_23 = arith.constant 0 : i32
      %dma_start3A_24 = tpu.memref_slice %arg10[%mul3A_2, %dma_start3A_23] : memref<10240x128xf32, #tpu.memory_space<vmem_shared>> -> memref<640x128xf32, #tpu.memory_space<vmem_shared>>
      tpu.enqueue_dma source(%arg4 : memref<640x128xf32, #tpu.memory_space<hbm>>) target(%dma_start3A_24 : memref<640x128xf32, #tpu.memory_space<vmem_shared>>) target_semaphore(%run_scoped3A : memref<!tpu.dma_semaphore, #tpu.memory_space<semaphore_mem>>)
      %dma_wait3A = arith.constant 0 : i32
      %dma_wait3A_25 = tpu.memref_slice %arg10[%mul3A_2, %dma_wait3A] : memref<10240x128xf32, #tpu.memory_space<vmem_shared>> -> memref<640x128xf32, #tpu.memory_space<vmem_shared>>
      tpu.wait_dma2 semaphore(%run_scoped3A : memref<!tpu.dma_semaphore, #tpu.memory_space<semaphore_mem>>) src(%arg4 : memref<640x128xf32, #tpu.memory_space<hbm>>) dst(%dma_wait3A_25 : memref<640x128xf32, #tpu.memory_space<vmem_shared>>)
      tpu.yield
    }) : () -> ()
    "tpu.region"() ({
      %run_scoped3A = tpu.sem_alloc : memref<!tpu.dma_semaphore, #tpu.memory_space<semaphore_mem>>
      tpu.enqueue_dma source(%arg3 : memref<128x128xf32, #tpu.memory_space<hbm>>) target(%arg7 : memref<128x128xf32, #tpu.memory_space<vmem>>) target_semaphore(%run_scoped3A : memref<!tpu.dma_semaphore, #tpu.memory_space<semaphore_mem>>)
      tpu.wait_dma2 semaphore(%run_scoped3A : memref<!tpu.dma_semaphore, #tpu.memory_space<semaphore_mem>>) src(%arg3 : memref<128x128xf32, #tpu.memory_space<hbm>>) dst(%arg7 : memref<128x128xf32, #tpu.memory_space<vmem>>)
      tpu.yield
    }) : () -> ()
    %mul3A_3 = arith.constant 80 : i32
    %mul3A_4 = arith.muli %add3A, %mul3A_3 : i32
    %dma_start3A = arith.constant 0 : i32
    %dma_start3A_5 = tpu.memref_slice %arg2[%mul3A_4, %dma_start3A] : memref<2560x128xi32, #tpu.memory_space<hbm>> -> memref<1x128xi32, #tpu.memory_space<hbm>>
    %dma_start3A_6 = tpu.memref_squeeze %dma_start3A_5 : memref<1x128xi32, #tpu.memory_space<hbm>> -> memref<128xi32, #tpu.memory_space<hbm>>
    %dma_start3A_7 = arith.constant 0 : i32
    %dma_start3A_8 = tpu.memref_slice %arg2[%mul3A_4, %dma_start3A_7] : memref<2560x128xi32, #tpu.memory_space<hbm>> -> memref<1x128xi32, #tpu.memory_space<hbm>>
    %dma_start3A_9 = tpu.memref_squeeze %dma_start3A_8 : memref<1x128xi32, #tpu.memory_space<hbm>> -> memref<128xi32, #tpu.memory_space<hbm>>
    tpu.enqueue_dma source(%dma_start3A_9 : memref<128xi32, #tpu.memory_space<hbm>>) target(%arg8 : memref<128xi32, #tpu.memory_space<vmem>>) target_semaphore(%arg11 : memref<!tpu.dma_semaphore, #tpu.memory_space<semaphore_mem>>)
    %barrier3A = arith.constant 0 : index
    tpu.barrier barrier_id(%barrier3A)
    %scan3A = arith.constant 0 : i32
    %scan3A_10 = arith.constant 0 : i32
    %scan3A_11 = arith.constant 40 : i32
    %scan3A_12 = arith.addi %scan3A_10, %scan3A_11 : i32
    %scan3A_13 = arith.constant 1 : i32
    scf.for %scan3A_23 = %scan3A_10 to %scan3A_12 step %scan3A_13  : i32 {
      %mul3A_24 = arith.constant 2 : i32
      %mul3A_25 = arith.muli %mul3A_24, %scan3A_23 : i32
      %add3A_26 = arith.constant 0 : i32
      %add3A_27 = arith.addi %mul3A_25, %add3A_26 : i32
      %dma_wait3A = arith.constant 0 : i32
      %dma_wait3A_28 = tpu.memref_slice %arg2[%mul3A_4, %dma_wait3A] : memref<2560x128xi32, #tpu.memory_space<hbm>> -> memref<1x128xi32, #tpu.memory_space<hbm>>
      %dma_wait3A_29 = tpu.memref_squeeze %dma_wait3A_28 : memref<1x128xi32, #tpu.memory_space<hbm>> -> memref<128xi32, #tpu.memory_space<hbm>>
      %dma_wait3A_30 = arith.constant 0 : i32
      %dma_wait3A_31 = tpu.memref_slice %arg2[%mul3A_4, %dma_wait3A_30] : memref<2560x128xi32, #tpu.memory_space<hbm>> -> memref<1x128xi32, #tpu.memory_space<hbm>>
      %dma_wait3A_32 = tpu.memref_squeeze %dma_wait3A_31 : memref<1x128xi32, #tpu.memory_space<hbm>> -> memref<128xi32, #tpu.memory_space<hbm>>
      tpu.wait_dma2 semaphore(%arg11 : memref<!tpu.dma_semaphore, #tpu.memory_space<semaphore_mem>>) src(%dma_wait3A_32 : memref<128xi32, #tpu.memory_space<hbm>>) dst(%arg8 : memref<128xi32, #tpu.memory_space<vmem>>)
      %add3A_33 = arith.constant 1 : i32
      %add3A_34 = arith.addi %add3A_27, %add3A_33 : i32
      %lt3A = arith.constant 80 : i32
      %lt3A_35 = arith.cmpi slt, %add3A_34, %lt3A : i32
      %convert_element_type3A_36 = arith.extui %lt3A_35 : i1 to i32
      %cond3A_37 = arith.constant 0 : i32
      %cond3A_38 = arith.cmpi ne, %convert_element_type3A_36, %cond3A_37 : i32
      scf.if %cond3A_38 {
        %add3A_56 = arith.addi %mul3A_4, %add3A_27 : i32
        %add3A_57 = arith.constant 1 : i32
        %add3A_58 = arith.addi %add3A_56, %add3A_57 : i32
        %dma_start3A_59 = arith.constant 0 : i32
        %dma_start3A_60 = tpu.memref_slice %arg2[%add3A_58, %dma_start3A_59] : memref<2560x128xi32, #tpu.memory_space<hbm>> -> memref<1x128xi32, #tpu.memory_space<hbm>>
        %dma_start3A_61 = tpu.memref_squeeze %dma_start3A_60 : memref<1x128xi32, #tpu.memory_space<hbm>> -> memref<128xi32, #tpu.memory_space<hbm>>
        %dma_start3A_62 = arith.constant 0 : i32
        %dma_start3A_63 = tpu.memref_slice %arg2[%add3A_58, %dma_start3A_62] : memref<2560x128xi32, #tpu.memory_space<hbm>> -> memref<1x128xi32, #tpu.memory_space<hbm>>
        %dma_start3A_64 = tpu.memref_squeeze %dma_start3A_63 : memref<1x128xi32, #tpu.memory_space<hbm>> -> memref<128xi32, #tpu.memory_space<hbm>>
        tpu.enqueue_dma source(%dma_start3A_64 : memref<128xi32, #tpu.memory_space<hbm>>) target(%arg9 : memref<128xi32, #tpu.memory_space<vmem>>) target_semaphore(%arg11 : memref<!tpu.dma_semaphore, #tpu.memory_space<semaphore_mem>>)
      } else {
      }
      "tpu.region"() ({
        %run_scoped3A = tpu.sem_alloc : memref<!tpu.dma_semaphore, #tpu.memory_space<semaphore_mem>>
        %dma_start3A_56 = arith.constant 0 : i32
        %dma_start3A_57 = arith.constant 0 : i32
        %dma_start3A_58 = tpu.memref_slice %arg10[%dma_start3A_56, %dma_start3A_57] : memref<10240x128xf32, #tpu.memory_space<vmem_shared>> -> memref<10240x128xf32, #tpu.memory_space<vmem_shared>>
        tpu.enqueue_indirect_dma source(%arg7 : memref<128x128xf32, #tpu.memory_space<vmem>>) target(%dma_start3A_58 : memref<10240x128xf32, #tpu.memory_space<vmem_shared>>) offsets(%arg8 : memref<128xi32, #tpu.memory_space<vmem>>) semaphore(%run_scoped3A : memref<!tpu.dma_semaphore, #tpu.memory_space<semaphore_mem>>) {add = true}
        %dma_wait3A_59 = arith.constant 0 : i32
        %dma_wait3A_60 = arith.constant 0 : i32
        %dma_wait3A_61 = tpu.memref_slice %arg10[%dma_wait3A_59, %dma_wait3A_60] : memref<10240x128xf32, #tpu.memory_space<vmem_shared>> -> memref<10240x128xf32, #tpu.memory_space<vmem_shared>>
        tpu.wait_indirect_dma semaphore(%run_scoped3A : memref<!tpu.dma_semaphore, #tpu.memory_space<semaphore_mem>>) src(%arg7 : memref<128x128xf32, #tpu.memory_space<vmem>>) dst(%dma_wait3A_61 : memref<10240x128xf32, #tpu.memory_space<vmem_shared>>)
        tpu.yield
      }) : () -> ()
      %mul3A_39 = arith.constant 2 : i32
      %mul3A_40 = arith.muli %mul3A_39, %scan3A_23 : i32
      %add3A_41 = arith.constant 1 : i32
      %add3A_42 = arith.addi %mul3A_40, %add3A_41 : i32
      %dma_wait3A_43 = arith.constant 0 : i32
      %dma_wait3A_44 = tpu.memref_slice %arg2[%mul3A_4, %dma_wait3A_43] : memref<2560x128xi32, #tpu.memory_space<hbm>> -> memref<1x128xi32, #tpu.memory_space<hbm>>
      %dma_wait3A_45 = tpu.memref_squeeze %dma_wait3A_44 : memref<1x128xi32, #tpu.memory_space<hbm>> -> memref<128xi32, #tpu.memory_space<hbm>>
      %dma_wait3A_46 = arith.constant 0 : i32
      %dma_wait3A_47 = tpu.memref_slice %arg2[%mul3A_4, %dma_wait3A_46] : memref<2560x128xi32, #tpu.memory_space<hbm>> -> memref<1x128xi32, #tpu.memory_space<hbm>>
      %dma_wait3A_48 = tpu.memref_squeeze %dma_wait3A_47 : memref<1x128xi32, #tpu.memory_space<hbm>> -> memref<128xi32, #tpu.memory_space<hbm>>
      tpu.wait_dma2 semaphore(%arg11 : memref<!tpu.dma_semaphore, #tpu.memory_space<semaphore_mem>>) src(%dma_wait3A_48 : memref<128xi32, #tpu.memory_space<hbm>>) dst(%arg9 : memref<128xi32, #tpu.memory_space<vmem>>)
      %add3A_49 = arith.constant 1 : i32
      %add3A_50 = arith.addi %add3A_42, %add3A_49 : i32
      %lt3A_51 = arith.constant 80 : i32
      %lt3A_52 = arith.cmpi slt, %add3A_50, %lt3A_51 : i32
      %convert_element_type3A_53 = arith.extui %lt3A_52 : i1 to i32
      %cond3A_54 = arith.constant 0 : i32
      %cond3A_55 = arith.cmpi ne, %convert_element_type3A_53, %cond3A_54 : i32
      scf.if %cond3A_55 {
        %add3A_56 = arith.addi %mul3A_4, %add3A_42 : i32
        %add3A_57 = arith.constant 1 : i32
        %add3A_58 = arith.addi %add3A_56, %add3A_57 : i32
        %dma_start3A_59 = arith.constant 0 : i32
        %dma_start3A_60 = tpu.memref_slice %arg2[%add3A_58, %dma_start3A_59] : memref<2560x128xi32, #tpu.memory_space<hbm>> -> memref<1x128xi32, #tpu.memory_space<hbm>>
        %dma_start3A_61 = tpu.memref_squeeze %dma_start3A_60 : memref<1x128xi32, #tpu.memory_space<hbm>> -> memref<128xi32, #tpu.memory_space<hbm>>
        %dma_start3A_62 = arith.constant 0 : i32
        %dma_start3A_63 = tpu.memref_slice %arg2[%add3A_58, %dma_start3A_62] : memref<2560x128xi32, #tpu.memory_space<hbm>> -> memref<1x128xi32, #tpu.memory_space<hbm>>
        %dma_start3A_64 = tpu.memref_squeeze %dma_start3A_63 : memref<1x128xi32, #tpu.memory_space<hbm>> -> memref<128xi32, #tpu.memory_space<hbm>>
        tpu.enqueue_dma source(%dma_start3A_64 : memref<128xi32, #tpu.memory_space<hbm>>) target(%arg8 : memref<128xi32, #tpu.memory_space<vmem>>) target_semaphore(%arg11 : memref<!tpu.dma_semaphore, #tpu.memory_space<semaphore_mem>>)
      } else {
      }
      "tpu.region"() ({
        %run_scoped3A = tpu.sem_alloc : memref<!tpu.dma_semaphore, #tpu.memory_space<semaphore_mem>>
        %dma_start3A_56 = arith.constant 0 : i32
        %dma_start3A_57 = arith.constant 0 : i32
        %dma_start3A_58 = tpu.memref_slice %arg10[%dma_start3A_56, %dma_start3A_57] : memref<10240x128xf32, #tpu.memory_space<vmem_shared>> -> memref<10240x128xf32, #tpu.memory_space<vmem_shared>>
        tpu.enqueue_indirect_dma source(%arg7 : memref<128x128xf32, #tpu.memory_space<vmem>>) target(%dma_start3A_58 : memref<10240x128xf32, #tpu.memory_space<vmem_shared>>) offsets(%arg9 : memref<128xi32, #tpu.memory_space<vmem>>) semaphore(%run_scoped3A : memref<!tpu.dma_semaphore, #tpu.memory_space<semaphore_mem>>) {add = true}
        %dma_wait3A_59 = arith.constant 0 : i32
        %dma_wait3A_60 = arith.constant 0 : i32
        %dma_wait3A_61 = tpu.memref_slice %arg10[%dma_wait3A_59, %dma_wait3A_60] : memref<10240x128xf32, #tpu.memory_space<vmem_shared>> -> memref<10240x128xf32, #tpu.memory_space<vmem_shared>>
        tpu.wait_indirect_dma semaphore(%run_scoped3A : memref<!tpu.dma_semaphore, #tpu.memory_space<semaphore_mem>>) src(%arg7 : memref<128x128xf32, #tpu.memory_space<vmem>>) dst(%dma_wait3A_61 : memref<10240x128xf32, #tpu.memory_space<vmem_shared>>)
        tpu.yield
      }) : () -> ()
    }
    %scan3A_14 = arith.constant 40 : i32
    %barrier3A_15 = arith.constant 0 : index
    tpu.barrier barrier_id(%barrier3A_15)
    %eq3A = arith.constant 0 : i32
    %eq3A_16 = arith.cmpi eq, %arg0, %eq3A : i32
    %convert_element_type3A = arith.extui %eq3A_16 : i1 to i32
    %cond3A = arith.constant 0 : i32
    %cond3A_17 = arith.cmpi ne, %convert_element_type3A, %cond3A : i32
    scf.if %cond3A_17 {
      %mul3A_23 = arith.constant 640 : i32
      %mul3A_24 = arith.muli %arg1, %mul3A_23 : i32
      %mul3A_25 = arith.constant 640 : i32
      %mul3A_26 = arith.muli %arg1, %mul3A_25 : i32
      "tpu.region"() ({
        %run_scoped3A = tpu.sem_alloc : memref<!tpu.dma_semaphore, #tpu.memory_space<semaphore_mem>>
        %dma_start3A_27 = arith.constant 0 : i32
        %dma_start3A_28 = tpu.memref_slice %arg5[%mul3A_26, %dma_start3A_27] : memref<10240x128xf32, #tpu.memory_space<hbm>> -> memref<640x128xf32, #tpu.memory_space<hbm>>
        %dma_start3A_29 = arith.constant 0 : i32
        %dma_start3A_30 = tpu.memref_slice %arg10[%mul3A_24, %dma_start3A_29] : memref<10240x128xf32, #tpu.memory_space<vmem_shared>> -> memref<640x128xf32, #tpu.memory_space<vmem_shared>>
        tpu.enqueue_dma source(%dma_start3A_30 : memref<640x128xf32, #tpu.memory_space<vmem_shared>>) target(%dma_start3A_28 : memref<640x128xf32, #tpu.memory_space<hbm>>) target_semaphore(%run_scoped3A : memref<!tpu.dma_semaphore, #tpu.memory_space<semaphore_mem>>)
        %dma_wait3A = arith.constant 0 : i32
        %dma_wait3A_31 = tpu.memref_slice %arg5[%mul3A_26, %dma_wait3A] : memref<10240x128xf32, #tpu.memory_space<hbm>> -> memref<640x128xf32, #tpu.memory_space<hbm>>
        %dma_wait3A_32 = arith.constant 0 : i32
        %dma_wait3A_33 = tpu.memref_slice %arg10[%mul3A_24, %dma_wait3A_32] : memref<10240x128xf32, #tpu.memory_space<vmem_shared>> -> memref<640x128xf32, #tpu.memory_space<vmem_shared>>
        tpu.wait_dma2 semaphore(%run_scoped3A : memref<!tpu.dma_semaphore, #tpu.memory_space<semaphore_mem>>) src(%dma_wait3A_33 : memref<640x128xf32, #tpu.memory_space<vmem_shared>>) dst(%dma_wait3A_31 : memref<640x128xf32, #tpu.memory_space<hbm>>)
        tpu.yield
      }) : () -> ()
    } else {
    }
    %eq3A_18 = arith.constant 1 : i32
    %eq3A_19 = arith.cmpi eq, %arg0, %eq3A_18 : i32
    %convert_element_type3A_20 = arith.extui %eq3A_19 : i1 to i32
    %cond3A_21 = arith.constant 0 : i32
    %cond3A_22 = arith.cmpi ne, %convert_element_type3A_20, %cond3A_21 : i32
    scf.if %cond3A_22 {
      %mul3A_23 = arith.constant 640 : i32
      %mul3A_24 = arith.muli %arg1, %mul3A_23 : i32
      %mul3A_25 = arith.constant 640 : i32
      %mul3A_26 = arith.muli %arg1, %mul3A_25 : i32
      "tpu.region"() ({
        %run_scoped3A = tpu.sem_alloc : memref<!tpu.dma_semaphore, #tpu.memory_space<semaphore_mem>>
        %dma_start3A_27 = arith.constant 0 : i32
        %dma_start3A_28 = tpu.memref_slice %arg6[%mul3A_26, %dma_start3A_27] : memref<10240x128xf32, #tpu.memory_space<hbm>> -> memref<640x128xf32, #tpu.memory_space<hbm>>
        %dma_start3A_29 = arith.constant 0 : i32
        %dma_start3A_30 = tpu.memref_slice %arg10[%mul3A_24, %dma_start3A_29] : memref<10240x128xf32, #tpu.memory_space<vmem_shared>> -> memref<640x128xf32, #tpu.memory_space<vmem_shared>>
        tpu.enqueue_dma source(%dma_start3A_30 : memref<640x128xf32, #tpu.memory_space<vmem_shared>>) target(%dma_start3A_28 : memref<640x128xf32, #tpu.memory_space<hbm>>) target_semaphore(%run_scoped3A : memref<!tpu.dma_semaphore, #tpu.memory_space<semaphore_mem>>)
        %dma_wait3A = arith.constant 0 : i32
        %dma_wait3A_31 = tpu.memref_slice %arg6[%mul3A_26, %dma_wait3A] : memref<10240x128xf32, #tpu.memory_space<hbm>> -> memref<640x128xf32, #tpu.memory_space<hbm>>
        %dma_wait3A_32 = arith.constant 0 : i32
        %dma_wait3A_33 = tpu.memref_slice %arg10[%mul3A_24, %dma_wait3A_32] : memref<10240x128xf32, #tpu.memory_space<vmem_shared>> -> memref<640x128xf32, #tpu.memory_space<vmem_shared>>
        tpu.wait_dma2 semaphore(%run_scoped3A : memref<!tpu.dma_semaphore, #tpu.memory_space<semaphore_mem>>) src(%dma_wait3A_33 : memref<640x128xf32, #tpu.memory_space<vmem_shared>>) dst(%dma_wait3A_31 : memref<640x128xf32, #tpu.memory_space<hbm>>)
        tpu.yield
      }) : () -> ()
    } else {
    }
    return
  }
}

#map = affine_map<(d0, d1) -> (0, 0)>
module attributes {stable_mosaic.version = 14 : i64} {
  func.func @body(%arg0: i32, %arg1: i32, %arg2: memref<10240x128xf32, #tpu.memory_space<hbm>>, %arg3: memref<2560x128xi32, #tpu.memory_space<hbm>>, %arg4: memref<2560x128xi32, #tpu.memory_space<hbm>>, %arg5: memref<640x128xf32, #tpu.memory_space<hbm>>, %arg6: memref<10240x128xf32, #tpu.memory_space<hbm>>, %arg7: memref<10240x128xf32, #tpu.memory_space<hbm>>, %arg8: memref<40x128xi32, #tpu.memory_space<vmem>>, %arg9: memref<128xi32, #tpu.memory_space<vmem>>, %arg10: memref<128xi32, #tpu.memory_space<vmem>>, %arg11: memref<128x128xf32, #tpu.memory_space<vmem>>, %arg12: memref<128x128xf32, #tpu.memory_space<vmem>>, %arg13: memref<10240x128xf32, #tpu.memory_space<vmem_shared>>, %arg14: memref<!tpu.dma_semaphore, #tpu.memory_space<semaphore_mem>>, %arg15: memref<!tpu.dma_semaphore, #tpu.memory_space<semaphore_mem>>) attributes {dimension_semantics = [#tpu.dimension_semantics<core_parallel>, #tpu.dimension_semantics<subcore_parallel>], iteration_bounds = array<i64: 2, 16>, scalar_prefetch = 0 : i64, scratch_operands = 8 : i64, tpu.core_type = #tpu.core_type<sc_vector_subcore>, window_params = [{transform_indices = #map}, {transform_indices = #map}, {transform_indices = #map}, {transform_indices = #map}, {transform_indices = #map}, {transform_indices = #map}]} {
    %mul3A = arith.constant 16 : i32
    %mul3A_0 = arith.muli %arg0, %mul3A : i32
    %add3A = arith.addi %mul3A_0, %arg1 : i32
    %mul3A_1 = arith.constant 640 : i32
    %mul3A_2 = arith.muli %arg1, %mul3A_1 : i32
    "tpu.region"() ({
      %run_scoped3A = tpu.sem_alloc : memref<!tpu.dma_semaphore, #tpu.memory_space<semaphore_mem>>
      %dma_start3A = arith.constant 0 : i32
      %dma_start3A_16 = tpu.memref_slice %arg13[%mul3A_2, %dma_start3A] : memref<10240x128xf32, #tpu.memory_space<vmem_shared>> -> memref<640x128xf32, #tpu.memory_space<vmem_shared>>
      tpu.enqueue_dma source(%arg5 : memref<640x128xf32, #tpu.memory_space<hbm>>) target(%dma_start3A_16 : memref<640x128xf32, #tpu.memory_space<vmem_shared>>) target_semaphore(%run_scoped3A : memref<!tpu.dma_semaphore, #tpu.memory_space<semaphore_mem>>)
      %dma_wait3A = arith.constant 0 : i32
      %dma_wait3A_17 = tpu.memref_slice %arg13[%mul3A_2, %dma_wait3A] : memref<10240x128xf32, #tpu.memory_space<vmem_shared>> -> memref<640x128xf32, #tpu.memory_space<vmem_shared>>
      tpu.wait_dma2 semaphore(%run_scoped3A : memref<!tpu.dma_semaphore, #tpu.memory_space<semaphore_mem>>) src(%arg5 : memref<640x128xf32, #tpu.memory_space<hbm>>) dst(%dma_wait3A_17 : memref<640x128xf32, #tpu.memory_space<vmem_shared>>)
      tpu.yield
    }) : () -> ()
    %barrier3A = arith.constant 0 : index
    tpu.barrier barrier_id(%barrier3A)
    %scan3A = arith.constant 0 : i32
    %scan3A_3 = arith.constant 0 : i32
    %scan3A_4 = arith.constant 2 : i32
    %scan3A_5 = arith.addi %scan3A_3, %scan3A_4 : i32
    %scan3A_6 = arith.constant 1 : i32
    scf.for %scan3A_16 = %scan3A_3 to %scan3A_5 step %scan3A_6  : i32 {
      %mul3A_17 = arith.constant 80 : i32
      %mul3A_18 = arith.muli %add3A, %mul3A_17 : i32
      %mul3A_19 = arith.constant 40 : i32
      %mul3A_20 = arith.muli %scan3A_16, %mul3A_19 : i32
      %add3A_21 = arith.addi %mul3A_18, %mul3A_20 : i32
      "tpu.region"() ({
        %run_scoped3A = tpu.sem_alloc : memref<!tpu.dma_semaphore, #tpu.memory_space<semaphore_mem>>
        %dma_start3A_40 = arith.constant 0 : i32
        %dma_start3A_41 = tpu.memref_slice %arg3[%add3A_21, %dma_start3A_40] : memref<2560x128xi32, #tpu.memory_space<hbm>> -> memref<40x128xi32, #tpu.memory_space<hbm>>
        %dma_start3A_42 = arith.constant 0 : i32
        %dma_start3A_43 = tpu.memref_slice %arg3[%add3A_21, %dma_start3A_42] : memref<2560x128xi32, #tpu.memory_space<hbm>> -> memref<40x128xi32, #tpu.memory_space<hbm>>
        tpu.enqueue_dma source(%dma_start3A_43 : memref<40x128xi32, #tpu.memory_space<hbm>>) target(%arg8 : memref<40x128xi32, #tpu.memory_space<vmem>>) target_semaphore(%run_scoped3A : memref<!tpu.dma_semaphore, #tpu.memory_space<semaphore_mem>>)
        %dma_wait3A = arith.constant 0 : i32
        %dma_wait3A_44 = tpu.memref_slice %arg3[%add3A_21, %dma_wait3A] : memref<2560x128xi32, #tpu.memory_space<hbm>> -> memref<40x128xi32, #tpu.memory_space<hbm>>
        %dma_wait3A_45 = arith.constant 0 : i32
        %dma_wait3A_46 = tpu.memref_slice %arg3[%add3A_21, %dma_wait3A_45] : memref<2560x128xi32, #tpu.memory_space<hbm>> -> memref<40x128xi32, #tpu.memory_space<hbm>>
        tpu.wait_dma2 semaphore(%run_scoped3A : memref<!tpu.dma_semaphore, #tpu.memory_space<semaphore_mem>>) src(%dma_wait3A_46 : memref<40x128xi32, #tpu.memory_space<hbm>>) dst(%arg8 : memref<40x128xi32, #tpu.memory_space<vmem>>)
        tpu.yield
      }) : () -> ()
      %dma_start3A = arith.constant 0 : i32
      %dma_start3A_22 = tpu.memref_slice %arg4[%add3A_21, %dma_start3A] : memref<2560x128xi32, #tpu.memory_space<hbm>> -> memref<1x128xi32, #tpu.memory_space<hbm>>
      %dma_start3A_23 = tpu.memref_squeeze %dma_start3A_22 : memref<1x128xi32, #tpu.memory_space<hbm>> -> memref<128xi32, #tpu.memory_space<hbm>>
      %dma_start3A_24 = arith.constant 0 : i32
      %dma_start3A_25 = tpu.memref_slice %arg4[%add3A_21, %dma_start3A_24] : memref<2560x128xi32, #tpu.memory_space<hbm>> -> memref<1x128xi32, #tpu.memory_space<hbm>>
      %dma_start3A_26 = tpu.memref_squeeze %dma_start3A_25 : memref<1x128xi32, #tpu.memory_space<hbm>> -> memref<128xi32, #tpu.memory_space<hbm>>
      tpu.enqueue_dma source(%dma_start3A_26 : memref<128xi32, #tpu.memory_space<hbm>>) target(%arg9 : memref<128xi32, #tpu.memory_space<vmem>>) target_semaphore(%arg15 : memref<!tpu.dma_semaphore, #tpu.memory_space<semaphore_mem>>)
      %dma_start3A_27 = arith.constant 0 : i32
      %dma_start3A_28 = arith.constant 0 : i32
      %dma_start3A_29 = tpu.memref_slice %arg8[%dma_start3A_27, %dma_start3A_28] : memref<40x128xi32, #tpu.memory_space<vmem>> -> memref<1x128xi32, #tpu.memory_space<vmem>>
      %dma_start3A_30 = tpu.memref_squeeze %dma_start3A_29 : memref<1x128xi32, #tpu.memory_space<vmem>> -> memref<128xi32, #tpu.memory_space<vmem>>
      %dma_start3A_31 = arith.constant 0 : i32
      %dma_start3A_32 = arith.constant 0 : i32
      %dma_start3A_33 = tpu.memref_slice %arg2[%dma_start3A_31, %dma_start3A_32] : memref<10240x128xf32, #tpu.memory_space<hbm>> -> memref<10240x128xf32, #tpu.memory_space<hbm>>
      tpu.enqueue_indirect_dma source(%dma_start3A_33 : memref<10240x128xf32, #tpu.memory_space<hbm>>) target(%arg11 : memref<128x128xf32, #tpu.memory_space<vmem>>) offsets(%dma_start3A_30 : memref<128xi32, #tpu.memory_space<vmem>>) semaphore(%arg14 : memref<!tpu.dma_semaphore, #tpu.memory_space<semaphore_mem>>)
      %scan3A_34 = arith.constant 0 : i32
      %scan3A_35 = arith.constant 0 : i32
      %scan3A_36 = arith.constant 20 : i32
      %scan3A_37 = arith.addi %scan3A_35, %scan3A_36 : i32
      %scan3A_38 = arith.constant 1 : i32
      scf.for %scan3A_40 = %scan3A_35 to %scan3A_37 step %scan3A_38  : i32 {
        %mul3A_41 = arith.constant 2 : i32
        %mul3A_42 = arith.muli %mul3A_41, %scan3A_40 : i32
        %add3A_43 = arith.constant 0 : i32
        %add3A_44 = arith.addi %mul3A_42, %add3A_43 : i32
        %dma_wait3A = arith.constant 0 : i32
        %dma_wait3A_45 = tpu.memref_slice %arg8[%add3A_44, %dma_wait3A] : memref<40x128xi32, #tpu.memory_space<vmem>> -> memref<1x128xi32, #tpu.memory_space<vmem>>
        %dma_wait3A_46 = tpu.memref_squeeze %dma_wait3A_45 : memref<1x128xi32, #tpu.memory_space<vmem>> -> memref<128xi32, #tpu.memory_space<vmem>>
        %dma_wait3A_47 = arith.constant 0 : i32
        %dma_wait3A_48 = arith.constant 0 : i32
        %dma_wait3A_49 = tpu.memref_slice %arg2[%dma_wait3A_47, %dma_wait3A_48] : memref<10240x128xf32, #tpu.memory_space<hbm>> -> memref<10240x128xf32, #tpu.memory_space<hbm>>
        tpu.wait_indirect_dma semaphore(%arg14 : memref<!tpu.dma_semaphore, #tpu.memory_space<semaphore_mem>>) src(%dma_wait3A_49 : memref<10240x128xf32, #tpu.memory_space<hbm>>) dst(%arg11 : memref<128x128xf32, #tpu.memory_space<vmem>>)
        %dma_wait3A_50 = arith.constant 0 : i32
        %dma_wait3A_51 = tpu.memref_slice %arg4[%add3A_21, %dma_wait3A_50] : memref<2560x128xi32, #tpu.memory_space<hbm>> -> memref<1x128xi32, #tpu.memory_space<hbm>>
        %dma_wait3A_52 = tpu.memref_squeeze %dma_wait3A_51 : memref<1x128xi32, #tpu.memory_space<hbm>> -> memref<128xi32, #tpu.memory_space<hbm>>
        %dma_wait3A_53 = arith.constant 0 : i32
        %dma_wait3A_54 = tpu.memref_slice %arg4[%add3A_21, %dma_wait3A_53] : memref<2560x128xi32, #tpu.memory_space<hbm>> -> memref<1x128xi32, #tpu.memory_space<hbm>>
        %dma_wait3A_55 = tpu.memref_squeeze %dma_wait3A_54 : memref<1x128xi32, #tpu.memory_space<hbm>> -> memref<128xi32, #tpu.memory_space<hbm>>
        tpu.wait_dma2 semaphore(%arg15 : memref<!tpu.dma_semaphore, #tpu.memory_space<semaphore_mem>>) src(%dma_wait3A_55 : memref<128xi32, #tpu.memory_space<hbm>>) dst(%arg9 : memref<128xi32, #tpu.memory_space<vmem>>)
        %add3A_56 = arith.constant 1 : i32
        %add3A_57 = arith.addi %add3A_44, %add3A_56 : i32
        %lt3A = arith.constant 40 : i32
        %lt3A_58 = arith.cmpi slt, %add3A_57, %lt3A : i32
        %convert_element_type3A_59 = arith.extui %lt3A_58 : i1 to i32
        %cond3A_60 = arith.constant 0 : i32
        %cond3A_61 = arith.cmpi ne, %convert_element_type3A_59, %cond3A_60 : i32
        scf.if %cond3A_61 {
          %add3A_85 = arith.constant 1 : i32
          %add3A_86 = arith.addi %add3A_44, %add3A_85 : i32
          %dma_start3A_87 = arith.constant 0 : i32
          %dma_start3A_88 = tpu.memref_slice %arg8[%add3A_86, %dma_start3A_87] : memref<40x128xi32, #tpu.memory_space<vmem>> -> memref<1x128xi32, #tpu.memory_space<vmem>>
          %dma_start3A_89 = tpu.memref_squeeze %dma_start3A_88 : memref<1x128xi32, #tpu.memory_space<vmem>> -> memref<128xi32, #tpu.memory_space<vmem>>
          %dma_start3A_90 = arith.constant 0 : i32
          %dma_start3A_91 = arith.constant 0 : i32
          %dma_start3A_92 = tpu.memref_slice %arg2[%dma_start3A_90, %dma_start3A_91] : memref<10240x128xf32, #tpu.memory_space<hbm>> -> memref<10240x128xf32, #tpu.memory_space<hbm>>
          tpu.enqueue_indirect_dma source(%dma_start3A_92 : memref<10240x128xf32, #tpu.memory_space<hbm>>) target(%arg12 : memref<128x128xf32, #tpu.memory_space<vmem>>) offsets(%dma_start3A_89 : memref<128xi32, #tpu.memory_space<vmem>>) semaphore(%arg14 : memref<!tpu.dma_semaphore, #tpu.memory_space<semaphore_mem>>)
          %add3A_93 = arith.addi %add3A_21, %add3A_44 : i32
          %add3A_94 = arith.constant 1 : i32
          %add3A_95 = arith.addi %add3A_93, %add3A_94 : i32
          %dma_start3A_96 = arith.constant 0 : i32
          %dma_start3A_97 = tpu.memref_slice %arg4[%add3A_95, %dma_start3A_96] : memref<2560x128xi32, #tpu.memory_space<hbm>> -> memref<1x128xi32, #tpu.memory_space<hbm>>
          %dma_start3A_98 = tpu.memref_squeeze %dma_start3A_97 : memref<1x128xi32, #tpu.memory_space<hbm>> -> memref<128xi32, #tpu.memory_space<hbm>>
          %dma_start3A_99 = arith.constant 0 : i32
          %dma_start3A_100 = tpu.memref_slice %arg4[%add3A_95, %dma_start3A_99] : memref<2560x128xi32, #tpu.memory_space<hbm>> -> memref<1x128xi32, #tpu.memory_space<hbm>>
          %dma_start3A_101 = tpu.memref_squeeze %dma_start3A_100 : memref<1x128xi32, #tpu.memory_space<hbm>> -> memref<128xi32, #tpu.memory_space<hbm>>
          tpu.enqueue_dma source(%dma_start3A_101 : memref<128xi32, #tpu.memory_space<hbm>>) target(%arg10 : memref<128xi32, #tpu.memory_space<vmem>>) target_semaphore(%arg15 : memref<!tpu.dma_semaphore, #tpu.memory_space<semaphore_mem>>)
        } else {
        }
        "tpu.region"() ({
          %run_scoped3A = tpu.sem_alloc : memref<!tpu.dma_semaphore, #tpu.memory_space<semaphore_mem>>
          %dma_start3A_85 = arith.constant 0 : i32
          %dma_start3A_86 = arith.constant 0 : i32
          %dma_start3A_87 = tpu.memref_slice %arg13[%dma_start3A_85, %dma_start3A_86] : memref<10240x128xf32, #tpu.memory_space<vmem_shared>> -> memref<10240x128xf32, #tpu.memory_space<vmem_shared>>
          tpu.enqueue_indirect_dma source(%arg11 : memref<128x128xf32, #tpu.memory_space<vmem>>) target(%dma_start3A_87 : memref<10240x128xf32, #tpu.memory_space<vmem_shared>>) offsets(%arg9 : memref<128xi32, #tpu.memory_space<vmem>>) semaphore(%run_scoped3A : memref<!tpu.dma_semaphore, #tpu.memory_space<semaphore_mem>>) {add = true}
          %dma_wait3A_88 = arith.constant 0 : i32
          %dma_wait3A_89 = arith.constant 0 : i32
          %dma_wait3A_90 = tpu.memref_slice %arg13[%dma_wait3A_88, %dma_wait3A_89] : memref<10240x128xf32, #tpu.memory_space<vmem_shared>> -> memref<10240x128xf32, #tpu.memory_space<vmem_shared>>
          tpu.wait_indirect_dma semaphore(%run_scoped3A : memref<!tpu.dma_semaphore, #tpu.memory_space<semaphore_mem>>) src(%arg11 : memref<128x128xf32, #tpu.memory_space<vmem>>) dst(%dma_wait3A_90 : memref<10240x128xf32, #tpu.memory_space<vmem_shared>>)
          tpu.yield
        }) : () -> ()
        %mul3A_62 = arith.constant 2 : i32
        %mul3A_63 = arith.muli %mul3A_62, %scan3A_40 : i32
        %add3A_64 = arith.constant 1 : i32
        %add3A_65 = arith.addi %mul3A_63, %add3A_64 : i32
        %dma_wait3A_66 = arith.constant 0 : i32
        %dma_wait3A_67 = tpu.memref_slice %arg8[%add3A_65, %dma_wait3A_66] : memref<40x128xi32, #tpu.memory_space<vmem>> -> memref<1x128xi32, #tpu.memory_space<vmem>>
        %dma_wait3A_68 = tpu.memref_squeeze %dma_wait3A_67 : memref<1x128xi32, #tpu.memory_space<vmem>> -> memref<128xi32, #tpu.memory_space<vmem>>
        %dma_wait3A_69 = arith.constant 0 : i32
        %dma_wait3A_70 = arith.constant 0 : i32
        %dma_wait3A_71 = tpu.memref_slice %arg2[%dma_wait3A_69, %dma_wait3A_70] : memref<10240x128xf32, #tpu.memory_space<hbm>> -> memref<10240x128xf32, #tpu.memory_space<hbm>>
        tpu.wait_indirect_dma semaphore(%arg14 : memref<!tpu.dma_semaphore, #tpu.memory_space<semaphore_mem>>) src(%dma_wait3A_71 : memref<10240x128xf32, #tpu.memory_space<hbm>>) dst(%arg12 : memref<128x128xf32, #tpu.memory_space<vmem>>)
        %dma_wait3A_72 = arith.constant 0 : i32
        %dma_wait3A_73 = tpu.memref_slice %arg4[%add3A_21, %dma_wait3A_72] : memref<2560x128xi32, #tpu.memory_space<hbm>> -> memref<1x128xi32, #tpu.memory_space<hbm>>
        %dma_wait3A_74 = tpu.memref_squeeze %dma_wait3A_73 : memref<1x128xi32, #tpu.memory_space<hbm>> -> memref<128xi32, #tpu.memory_space<hbm>>
        %dma_wait3A_75 = arith.constant 0 : i32
        %dma_wait3A_76 = tpu.memref_slice %arg4[%add3A_21, %dma_wait3A_75] : memref<2560x128xi32, #tpu.memory_space<hbm>> -> memref<1x128xi32, #tpu.memory_space<hbm>>
        %dma_wait3A_77 = tpu.memref_squeeze %dma_wait3A_76 : memref<1x128xi32, #tpu.memory_space<hbm>> -> memref<128xi32, #tpu.memory_space<hbm>>
        tpu.wait_dma2 semaphore(%arg15 : memref<!tpu.dma_semaphore, #tpu.memory_space<semaphore_mem>>) src(%dma_wait3A_77 : memref<128xi32, #tpu.memory_space<hbm>>) dst(%arg10 : memref<128xi32, #tpu.memory_space<vmem>>)
        %add3A_78 = arith.constant 1 : i32
        %add3A_79 = arith.addi %add3A_65, %add3A_78 : i32
        %lt3A_80 = arith.constant 40 : i32
        %lt3A_81 = arith.cmpi slt, %add3A_79, %lt3A_80 : i32
        %convert_element_type3A_82 = arith.extui %lt3A_81 : i1 to i32
        %cond3A_83 = arith.constant 0 : i32
        %cond3A_84 = arith.cmpi ne, %convert_element_type3A_82, %cond3A_83 : i32
        scf.if %cond3A_84 {
          %add3A_85 = arith.constant 1 : i32
          %add3A_86 = arith.addi %add3A_65, %add3A_85 : i32
          %dma_start3A_87 = arith.constant 0 : i32
          %dma_start3A_88 = tpu.memref_slice %arg8[%add3A_86, %dma_start3A_87] : memref<40x128xi32, #tpu.memory_space<vmem>> -> memref<1x128xi32, #tpu.memory_space<vmem>>
          %dma_start3A_89 = tpu.memref_squeeze %dma_start3A_88 : memref<1x128xi32, #tpu.memory_space<vmem>> -> memref<128xi32, #tpu.memory_space<vmem>>
          %dma_start3A_90 = arith.constant 0 : i32
          %dma_start3A_91 = arith.constant 0 : i32
          %dma_start3A_92 = tpu.memref_slice %arg2[%dma_start3A_90, %dma_start3A_91] : memref<10240x128xf32, #tpu.memory_space<hbm>> -> memref<10240x128xf32, #tpu.memory_space<hbm>>
          tpu.enqueue_indirect_dma source(%dma_start3A_92 : memref<10240x128xf32, #tpu.memory_space<hbm>>) target(%arg11 : memref<128x128xf32, #tpu.memory_space<vmem>>) offsets(%dma_start3A_89 : memref<128xi32, #tpu.memory_space<vmem>>) semaphore(%arg14 : memref<!tpu.dma_semaphore, #tpu.memory_space<semaphore_mem>>)
          %add3A_93 = arith.addi %add3A_21, %add3A_65 : i32
          %add3A_94 = arith.constant 1 : i32
          %add3A_95 = arith.addi %add3A_93, %add3A_94 : i32
          %dma_start3A_96 = arith.constant 0 : i32
          %dma_start3A_97 = tpu.memref_slice %arg4[%add3A_95, %dma_start3A_96] : memref<2560x128xi32, #tpu.memory_space<hbm>> -> memref<1x128xi32, #tpu.memory_space<hbm>>
          %dma_start3A_98 = tpu.memref_squeeze %dma_start3A_97 : memref<1x128xi32, #tpu.memory_space<hbm>> -> memref<128xi32, #tpu.memory_space<hbm>>
          %dma_start3A_99 = arith.constant 0 : i32
          %dma_start3A_100 = tpu.memref_slice %arg4[%add3A_95, %dma_start3A_99] : memref<2560x128xi32, #tpu.memory_space<hbm>> -> memref<1x128xi32, #tpu.memory_space<hbm>>
          %dma_start3A_101 = tpu.memref_squeeze %dma_start3A_100 : memref<1x128xi32, #tpu.memory_space<hbm>> -> memref<128xi32, #tpu.memory_space<hbm>>
          tpu.enqueue_dma source(%dma_start3A_101 : memref<128xi32, #tpu.memory_space<hbm>>) target(%arg9 : memref<128xi32, #tpu.memory_space<vmem>>) target_semaphore(%arg15 : memref<!tpu.dma_semaphore, #tpu.memory_space<semaphore_mem>>)
        } else {
        }
        "tpu.region"() ({
          %run_scoped3A = tpu.sem_alloc : memref<!tpu.dma_semaphore, #tpu.memory_space<semaphore_mem>>
          %dma_start3A_85 = arith.constant 0 : i32
          %dma_start3A_86 = arith.constant 0 : i32
          %dma_start3A_87 = tpu.memref_slice %arg13[%dma_start3A_85, %dma_start3A_86] : memref<10240x128xf32, #tpu.memory_space<vmem_shared>> -> memref<10240x128xf32, #tpu.memory_space<vmem_shared>>
          tpu.enqueue_indirect_dma source(%arg12 : memref<128x128xf32, #tpu.memory_space<vmem>>) target(%dma_start3A_87 : memref<10240x128xf32, #tpu.memory_space<vmem_shared>>) offsets(%arg10 : memref<128xi32, #tpu.memory_space<vmem>>) semaphore(%run_scoped3A : memref<!tpu.dma_semaphore, #tpu.memory_space<semaphore_mem>>) {add = true}
          %dma_wait3A_88 = arith.constant 0 : i32
          %dma_wait3A_89 = arith.constant 0 : i32
          %dma_wait3A_90 = tpu.memref_slice %arg13[%dma_wait3A_88, %dma_wait3A_89] : memref<10240x128xf32, #tpu.memory_space<vmem_shared>> -> memref<10240x128xf32, #tpu.memory_space<vmem_shared>>
          tpu.wait_indirect_dma semaphore(%run_scoped3A : memref<!tpu.dma_semaphore, #tpu.memory_space<semaphore_mem>>) src(%arg12 : memref<128x128xf32, #tpu.memory_space<vmem>>) dst(%dma_wait3A_90 : memref<10240x128xf32, #tpu.memory_space<vmem_shared>>)
          tpu.yield
        }) : () -> ()
      }
      %scan3A_39 = arith.constant 20 : i32
    }
    %scan3A_7 = arith.constant 2 : i32
    %barrier3A_8 = arith.constant 0 : index
    tpu.barrier barrier_id(%barrier3A_8)
    %eq3A = arith.constant 0 : i32
    %eq3A_9 = arith.cmpi eq, %arg0, %eq3A : i32
    %convert_element_type3A = arith.extui %eq3A_9 : i1 to i32
    %cond3A = arith.constant 0 : i32
    %cond3A_10 = arith.cmpi ne, %convert_element_type3A, %cond3A : i32
    scf.if %cond3A_10 {
      %mul3A_16 = arith.constant 640 : i32
      %mul3A_17 = arith.muli %arg1, %mul3A_16 : i32
      %mul3A_18 = arith.constant 640 : i32
      %mul3A_19 = arith.muli %arg1, %mul3A_18 : i32
      "tpu.region"() ({
        %run_scoped3A = tpu.sem_alloc : memref<!tpu.dma_semaphore, #tpu.memory_space<semaphore_mem>>
        %dma_start3A = arith.constant 0 : i32
        %dma_start3A_20 = tpu.memref_slice %arg6[%mul3A_19, %dma_start3A] : memref<10240x128xf32, #tpu.memory_space<hbm>> -> memref<640x128xf32, #tpu.memory_space<hbm>>
        %dma_start3A_21 = arith.constant 0 : i32
        %dma_start3A_22 = tpu.memref_slice %arg13[%mul3A_17, %dma_start3A_21] : memref<10240x128xf32, #tpu.memory_space<vmem_shared>> -> memref<640x128xf32, #tpu.memory_space<vmem_shared>>
        tpu.enqueue_dma source(%dma_start3A_22 : memref<640x128xf32, #tpu.memory_space<vmem_shared>>) target(%dma_start3A_20 : memref<640x128xf32, #tpu.memory_space<hbm>>) target_semaphore(%run_scoped3A : memref<!tpu.dma_semaphore, #tpu.memory_space<semaphore_mem>>)
        %dma_wait3A = arith.constant 0 : i32
        %dma_wait3A_23 = tpu.memref_slice %arg6[%mul3A_19, %dma_wait3A] : memref<10240x128xf32, #tpu.memory_space<hbm>> -> memref<640x128xf32, #tpu.memory_space<hbm>>
        %dma_wait3A_24 = arith.constant 0 : i32
        %dma_wait3A_25 = tpu.memref_slice %arg13[%mul3A_17, %dma_wait3A_24] : memref<10240x128xf32, #tpu.memory_space<vmem_shared>> -> memref<640x128xf32, #tpu.memory_space<vmem_shared>>
        tpu.wait_dma2 semaphore(%run_scoped3A : memref<!tpu.dma_semaphore, #tpu.memory_space<semaphore_mem>>) src(%dma_wait3A_25 : memref<640x128xf32, #tpu.memory_space<vmem_shared>>) dst(%dma_wait3A_23 : memref<640x128xf32, #tpu.memory_space<hbm>>)
        tpu.yield
      }) : () -> ()
    } else {
    }
    %eq3A_11 = arith.constant 1 : i32
    %eq3A_12 = arith.cmpi eq, %arg0, %eq3A_11 : i32
    %convert_element_type3A_13 = arith.extui %eq3A_12 : i1 to i32
    %cond3A_14 = arith.constant 0 : i32
    %cond3A_15 = arith.cmpi ne, %convert_element_type3A_13, %cond3A_14 : i32
    scf.if %cond3A_15 {
      %mul3A_16 = arith.constant 640 : i32
      %mul3A_17 = arith.muli %arg1, %mul3A_16 : i32
      %mul3A_18 = arith.constant 640 : i32
      %mul3A_19 = arith.muli %arg1, %mul3A_18 : i32
      "tpu.region"() ({
        %run_scoped3A = tpu.sem_alloc : memref<!tpu.dma_semaphore, #tpu.memory_space<semaphore_mem>>
        %dma_start3A = arith.constant 0 : i32
        %dma_start3A_20 = tpu.memref_slice %arg7[%mul3A_19, %dma_start3A] : memref<10240x128xf32, #tpu.memory_space<hbm>> -> memref<640x128xf32, #tpu.memory_space<hbm>>
        %dma_start3A_21 = arith.constant 0 : i32
        %dma_start3A_22 = tpu.memref_slice %arg13[%mul3A_17, %dma_start3A_21] : memref<10240x128xf32, #tpu.memory_space<vmem_shared>> -> memref<640x128xf32, #tpu.memory_space<vmem_shared>>
        tpu.enqueue_dma source(%dma_start3A_22 : memref<640x128xf32, #tpu.memory_space<vmem_shared>>) target(%dma_start3A_20 : memref<640x128xf32, #tpu.memory_space<hbm>>) target_semaphore(%run_scoped3A : memref<!tpu.dma_semaphore, #tpu.memory_space<semaphore_mem>>)
        %dma_wait3A = arith.constant 0 : i32
        %dma_wait3A_23 = tpu.memref_slice %arg7[%mul3A_19, %dma_wait3A] : memref<10240x128xf32, #tpu.memory_space<hbm>> -> memref<640x128xf32, #tpu.memory_space<hbm>>
        %dma_wait3A_24 = arith.constant 0 : i32
        %dma_wait3A_25 = tpu.memref_slice %arg13[%mul3A_17, %dma_wait3A_24] : memref<10240x128xf32, #tpu.memory_space<vmem_shared>> -> memref<640x128xf32, #tpu.memory_space<vmem_shared>>
        tpu.wait_dma2 semaphore(%run_scoped3A : memref<!tpu.dma_semaphore, #tpu.memory_space<semaphore_mem>>) src(%dma_wait3A_25 : memref<640x128xf32, #tpu.memory_space<vmem_shared>>) dst(%dma_wait3A_23 : memref<640x128xf32, #tpu.memory_space<hbm>>)
        tpu.yield
      }) : () -> ()
    } else {
    }
    return
  }
}

#map = affine_map<(d0, d1) -> (0, 0)>
module attributes {stable_mosaic.version = 14 : i64} {
  func.func @body(%arg0: i32, %arg1: i32, %arg2: memref<10240x128xf32, #tpu.memory_space<hbm>>, %arg3: memref<2560x128xi32, #tpu.memory_space<hbm>>, %arg4: memref<2560x128xi32, #tpu.memory_space<hbm>>, %arg5: memref<640x128xf32, #tpu.memory_space<hbm>>, %arg6: memref<10240x128xf32, #tpu.memory_space<hbm>>, %arg7: memref<10240x128xf32, #tpu.memory_space<hbm>>, %arg8: memref<40x128xi32, #tpu.memory_space<vmem>>, %arg9: memref<128xi32, #tpu.memory_space<vmem>>, %arg10: memref<128xi32, #tpu.memory_space<vmem>>, %arg11: memref<128x128xf32, #tpu.memory_space<vmem>>, %arg12: memref<128x128xf32, #tpu.memory_space<vmem>>, %arg13: memref<10240x128xf32, #tpu.memory_space<vmem_shared>>, %arg14: memref<!tpu.dma_semaphore, #tpu.memory_space<semaphore_mem>>, %arg15: memref<!tpu.dma_semaphore, #tpu.memory_space<semaphore_mem>>) attributes {dimension_semantics = [#tpu.dimension_semantics<core_parallel>, #tpu.dimension_semantics<subcore_parallel>], iteration_bounds = array<i64: 2, 16>, scalar_prefetch = 0 : i64, scratch_operands = 8 : i64, tpu.core_type = #tpu.core_type<sc_vector_subcore>, window_params = [{transform_indices = #map}, {transform_indices = #map}, {transform_indices = #map}, {transform_indices = #map}, {transform_indices = #map}, {transform_indices = #map}]} {
    %mul3A = arith.constant 16 : i32
    %mul3A_0 = arith.muli %arg0, %mul3A : i32
    %add3A = arith.addi %mul3A_0, %arg1 : i32
    %mul3A_1 = arith.constant 640 : i32
    %mul3A_2 = arith.muli %arg1, %mul3A_1 : i32
    "tpu.region"() ({
      %run_scoped3A = tpu.sem_alloc : memref<!tpu.dma_semaphore, #tpu.memory_space<semaphore_mem>>
      %dma_start3A = arith.constant 0 : i32
      %dma_start3A_16 = tpu.memref_slice %arg13[%mul3A_2, %dma_start3A] : memref<10240x128xf32, #tpu.memory_space<vmem_shared>> -> memref<640x128xf32, #tpu.memory_space<vmem_shared>>
      tpu.enqueue_dma source(%arg5 : memref<640x128xf32, #tpu.memory_space<hbm>>) target(%dma_start3A_16 : memref<640x128xf32, #tpu.memory_space<vmem_shared>>) target_semaphore(%run_scoped3A : memref<!tpu.dma_semaphore, #tpu.memory_space<semaphore_mem>>)
      %dma_wait3A = arith.constant 0 : i32
      %dma_wait3A_17 = tpu.memref_slice %arg13[%mul3A_2, %dma_wait3A] : memref<10240x128xf32, #tpu.memory_space<vmem_shared>> -> memref<640x128xf32, #tpu.memory_space<vmem_shared>>
      tpu.wait_dma2 semaphore(%run_scoped3A : memref<!tpu.dma_semaphore, #tpu.memory_space<semaphore_mem>>) src(%arg5 : memref<640x128xf32, #tpu.memory_space<hbm>>) dst(%dma_wait3A_17 : memref<640x128xf32, #tpu.memory_space<vmem_shared>>)
      tpu.yield
    }) : () -> ()
    %barrier3A = arith.constant 0 : index
    tpu.barrier barrier_id(%barrier3A)
    %scan3A = arith.constant 0 : i32
    %scan3A_3 = arith.constant 0 : i32
    %scan3A_4 = arith.constant 2 : i32
    %scan3A_5 = arith.addi %scan3A_3, %scan3A_4 : i32
    %scan3A_6 = arith.constant 1 : i32
    scf.for %scan3A_16 = %scan3A_3 to %scan3A_5 step %scan3A_6  : i32 {
      %mul3A_17 = arith.constant 80 : i32
      %mul3A_18 = arith.muli %add3A, %mul3A_17 : i32
      %mul3A_19 = arith.constant 40 : i32
      %mul3A_20 = arith.muli %scan3A_16, %mul3A_19 : i32
      %add3A_21 = arith.addi %mul3A_18, %mul3A_20 : i32
      "tpu.region"() ({
        %run_scoped3A = tpu.sem_alloc : memref<!tpu.dma_semaphore, #tpu.memory_space<semaphore_mem>>
        %dma_start3A_40 = arith.constant 0 : i32
        %dma_start3A_41 = tpu.memref_slice %arg3[%add3A_21, %dma_start3A_40] : memref<2560x128xi32, #tpu.memory_space<hbm>> -> memref<40x128xi32, #tpu.memory_space<hbm>>
        %dma_start3A_42 = arith.constant 0 : i32
        %dma_start3A_43 = tpu.memref_slice %arg3[%add3A_21, %dma_start3A_42] : memref<2560x128xi32, #tpu.memory_space<hbm>> -> memref<40x128xi32, #tpu.memory_space<hbm>>
        tpu.enqueue_dma source(%dma_start3A_43 : memref<40x128xi32, #tpu.memory_space<hbm>>) target(%arg8 : memref<40x128xi32, #tpu.memory_space<vmem>>) target_semaphore(%run_scoped3A : memref<!tpu.dma_semaphore, #tpu.memory_space<semaphore_mem>>)
        %dma_wait3A = arith.constant 0 : i32
        %dma_wait3A_44 = tpu.memref_slice %arg3[%add3A_21, %dma_wait3A] : memref<2560x128xi32, #tpu.memory_space<hbm>> -> memref<40x128xi32, #tpu.memory_space<hbm>>
        %dma_wait3A_45 = arith.constant 0 : i32
        %dma_wait3A_46 = tpu.memref_slice %arg3[%add3A_21, %dma_wait3A_45] : memref<2560x128xi32, #tpu.memory_space<hbm>> -> memref<40x128xi32, #tpu.memory_space<hbm>>
        tpu.wait_dma2 semaphore(%run_scoped3A : memref<!tpu.dma_semaphore, #tpu.memory_space<semaphore_mem>>) src(%dma_wait3A_46 : memref<40x128xi32, #tpu.memory_space<hbm>>) dst(%arg8 : memref<40x128xi32, #tpu.memory_space<vmem>>)
        tpu.yield
      }) : () -> ()
      %dma_start3A = arith.constant 0 : i32
      %dma_start3A_22 = tpu.memref_slice %arg4[%add3A_21, %dma_start3A] : memref<2560x128xi32, #tpu.memory_space<hbm>> -> memref<1x128xi32, #tpu.memory_space<hbm>>
      %dma_start3A_23 = tpu.memref_squeeze %dma_start3A_22 : memref<1x128xi32, #tpu.memory_space<hbm>> -> memref<128xi32, #tpu.memory_space<hbm>>
      %dma_start3A_24 = arith.constant 0 : i32
      %dma_start3A_25 = tpu.memref_slice %arg4[%add3A_21, %dma_start3A_24] : memref<2560x128xi32, #tpu.memory_space<hbm>> -> memref<1x128xi32, #tpu.memory_space<hbm>>
      %dma_start3A_26 = tpu.memref_squeeze %dma_start3A_25 : memref<1x128xi32, #tpu.memory_space<hbm>> -> memref<128xi32, #tpu.memory_space<hbm>>
      tpu.enqueue_dma source(%dma_start3A_26 : memref<128xi32, #tpu.memory_space<hbm>>) target(%arg9 : memref<128xi32, #tpu.memory_space<vmem>>) target_semaphore(%arg15 : memref<!tpu.dma_semaphore, #tpu.memory_space<semaphore_mem>>)
      %dma_start3A_27 = arith.constant 0 : i32
      %dma_start3A_28 = arith.constant 0 : i32
      %dma_start3A_29 = tpu.memref_slice %arg8[%dma_start3A_27, %dma_start3A_28] : memref<40x128xi32, #tpu.memory_space<vmem>> -> memref<1x128xi32, #tpu.memory_space<vmem>>
      %dma_start3A_30 = tpu.memref_squeeze %dma_start3A_29 : memref<1x128xi32, #tpu.memory_space<vmem>> -> memref<128xi32, #tpu.memory_space<vmem>>
      %dma_start3A_31 = arith.constant 0 : i32
      %dma_start3A_32 = arith.constant 0 : i32
      %dma_start3A_33 = tpu.memref_slice %arg2[%dma_start3A_31, %dma_start3A_32] : memref<10240x128xf32, #tpu.memory_space<hbm>> -> memref<10240x128xf32, #tpu.memory_space<hbm>>
      tpu.enqueue_indirect_dma source(%dma_start3A_33 : memref<10240x128xf32, #tpu.memory_space<hbm>>) target(%arg11 : memref<128x128xf32, #tpu.memory_space<vmem>>) offsets(%dma_start3A_30 : memref<128xi32, #tpu.memory_space<vmem>>) semaphore(%arg14 : memref<!tpu.dma_semaphore, #tpu.memory_space<semaphore_mem>>)
      %scan3A_34 = arith.constant 0 : i32
      %scan3A_35 = arith.constant 0 : i32
      %scan3A_36 = arith.constant 20 : i32
      %scan3A_37 = arith.addi %scan3A_35, %scan3A_36 : i32
      %scan3A_38 = arith.constant 1 : i32
      scf.for %scan3A_40 = %scan3A_35 to %scan3A_37 step %scan3A_38  : i32 {
        %mul3A_41 = arith.constant 2 : i32
        %mul3A_42 = arith.muli %mul3A_41, %scan3A_40 : i32
        %add3A_43 = arith.constant 0 : i32
        %add3A_44 = arith.addi %mul3A_42, %add3A_43 : i32
        %dma_wait3A = arith.constant 0 : i32
        %dma_wait3A_45 = tpu.memref_slice %arg8[%add3A_44, %dma_wait3A] : memref<40x128xi32, #tpu.memory_space<vmem>> -> memref<1x128xi32, #tpu.memory_space<vmem>>
        %dma_wait3A_46 = tpu.memref_squeeze %dma_wait3A_45 : memref<1x128xi32, #tpu.memory_space<vmem>> -> memref<128xi32, #tpu.memory_space<vmem>>
        %dma_wait3A_47 = arith.constant 0 : i32
        %dma_wait3A_48 = arith.constant 0 : i32
        %dma_wait3A_49 = tpu.memref_slice %arg2[%dma_wait3A_47, %dma_wait3A_48] : memref<10240x128xf32, #tpu.memory_space<hbm>> -> memref<10240x128xf32, #tpu.memory_space<hbm>>
        tpu.wait_indirect_dma semaphore(%arg14 : memref<!tpu.dma_semaphore, #tpu.memory_space<semaphore_mem>>) src(%dma_wait3A_49 : memref<10240x128xf32, #tpu.memory_space<hbm>>) dst(%arg11 : memref<128x128xf32, #tpu.memory_space<vmem>>)
        %dma_wait3A_50 = arith.constant 0 : i32
        %dma_wait3A_51 = tpu.memref_slice %arg4[%add3A_21, %dma_wait3A_50] : memref<2560x128xi32, #tpu.memory_space<hbm>> -> memref<1x128xi32, #tpu.memory_space<hbm>>
        %dma_wait3A_52 = tpu.memref_squeeze %dma_wait3A_51 : memref<1x128xi32, #tpu.memory_space<hbm>> -> memref<128xi32, #tpu.memory_space<hbm>>
        %dma_wait3A_53 = arith.constant 0 : i32
        %dma_wait3A_54 = tpu.memref_slice %arg4[%add3A_21, %dma_wait3A_53] : memref<2560x128xi32, #tpu.memory_space<hbm>> -> memref<1x128xi32, #tpu.memory_space<hbm>>
        %dma_wait3A_55 = tpu.memref_squeeze %dma_wait3A_54 : memref<1x128xi32, #tpu.memory_space<hbm>> -> memref<128xi32, #tpu.memory_space<hbm>>
        tpu.wait_dma2 semaphore(%arg15 : memref<!tpu.dma_semaphore, #tpu.memory_space<semaphore_mem>>) src(%dma_wait3A_55 : memref<128xi32, #tpu.memory_space<hbm>>) dst(%arg9 : memref<128xi32, #tpu.memory_space<vmem>>)
        %add3A_56 = arith.constant 1 : i32
        %add3A_57 = arith.addi %add3A_44, %add3A_56 : i32
        %lt3A = arith.constant 40 : i32
        %lt3A_58 = arith.cmpi slt, %add3A_57, %lt3A : i32
        %convert_element_type3A_59 = arith.extui %lt3A_58 : i1 to i32
        %cond3A_60 = arith.constant 0 : i32
        %cond3A_61 = arith.cmpi ne, %convert_element_type3A_59, %cond3A_60 : i32
        scf.if %cond3A_61 {
          %add3A_85 = arith.constant 1 : i32
          %add3A_86 = arith.addi %add3A_44, %add3A_85 : i32
          %dma_start3A_87 = arith.constant 0 : i32
          %dma_start3A_88 = tpu.memref_slice %arg8[%add3A_86, %dma_start3A_87] : memref<40x128xi32, #tpu.memory_space<vmem>> -> memref<1x128xi32, #tpu.memory_space<vmem>>
          %dma_start3A_89 = tpu.memref_squeeze %dma_start3A_88 : memref<1x128xi32, #tpu.memory_space<vmem>> -> memref<128xi32, #tpu.memory_space<vmem>>
          %dma_start3A_90 = arith.constant 0 : i32
          %dma_start3A_91 = arith.constant 0 : i32
          %dma_start3A_92 = tpu.memref_slice %arg2[%dma_start3A_90, %dma_start3A_91] : memref<10240x128xf32, #tpu.memory_space<hbm>> -> memref<10240x128xf32, #tpu.memory_space<hbm>>
          tpu.enqueue_indirect_dma source(%dma_start3A_92 : memref<10240x128xf32, #tpu.memory_space<hbm>>) target(%arg12 : memref<128x128xf32, #tpu.memory_space<vmem>>) offsets(%dma_start3A_89 : memref<128xi32, #tpu.memory_space<vmem>>) semaphore(%arg14 : memref<!tpu.dma_semaphore, #tpu.memory_space<semaphore_mem>>)
          %add3A_93 = arith.addi %add3A_21, %add3A_44 : i32
          %add3A_94 = arith.constant 1 : i32
          %add3A_95 = arith.addi %add3A_93, %add3A_94 : i32
          %dma_start3A_96 = arith.constant 0 : i32
          %dma_start3A_97 = tpu.memref_slice %arg4[%add3A_95, %dma_start3A_96] : memref<2560x128xi32, #tpu.memory_space<hbm>> -> memref<1x128xi32, #tpu.memory_space<hbm>>
          %dma_start3A_98 = tpu.memref_squeeze %dma_start3A_97 : memref<1x128xi32, #tpu.memory_space<hbm>> -> memref<128xi32, #tpu.memory_space<hbm>>
          %dma_start3A_99 = arith.constant 0 : i32
          %dma_start3A_100 = tpu.memref_slice %arg4[%add3A_95, %dma_start3A_99] : memref<2560x128xi32, #tpu.memory_space<hbm>> -> memref<1x128xi32, #tpu.memory_space<hbm>>
          %dma_start3A_101 = tpu.memref_squeeze %dma_start3A_100 : memref<1x128xi32, #tpu.memory_space<hbm>> -> memref<128xi32, #tpu.memory_space<hbm>>
          tpu.enqueue_dma source(%dma_start3A_101 : memref<128xi32, #tpu.memory_space<hbm>>) target(%arg10 : memref<128xi32, #tpu.memory_space<vmem>>) target_semaphore(%arg15 : memref<!tpu.dma_semaphore, #tpu.memory_space<semaphore_mem>>)
        } else {
        }
        "tpu.region"() ({
          %run_scoped3A = tpu.sem_alloc : memref<!tpu.dma_semaphore, #tpu.memory_space<semaphore_mem>>
          %dma_start3A_85 = arith.constant 0 : i32
          %dma_start3A_86 = arith.constant 0 : i32
          %dma_start3A_87 = tpu.memref_slice %arg13[%dma_start3A_85, %dma_start3A_86] : memref<10240x128xf32, #tpu.memory_space<vmem_shared>> -> memref<10240x128xf32, #tpu.memory_space<vmem_shared>>
          tpu.enqueue_indirect_dma source(%arg11 : memref<128x128xf32, #tpu.memory_space<vmem>>) target(%dma_start3A_87 : memref<10240x128xf32, #tpu.memory_space<vmem_shared>>) offsets(%arg9 : memref<128xi32, #tpu.memory_space<vmem>>) semaphore(%run_scoped3A : memref<!tpu.dma_semaphore, #tpu.memory_space<semaphore_mem>>) {add = true}
          %dma_wait3A_88 = arith.constant 0 : i32
          %dma_wait3A_89 = arith.constant 0 : i32
          %dma_wait3A_90 = tpu.memref_slice %arg13[%dma_wait3A_88, %dma_wait3A_89] : memref<10240x128xf32, #tpu.memory_space<vmem_shared>> -> memref<10240x128xf32, #tpu.memory_space<vmem_shared>>
          tpu.wait_indirect_dma semaphore(%run_scoped3A : memref<!tpu.dma_semaphore, #tpu.memory_space<semaphore_mem>>) src(%arg11 : memref<128x128xf32, #tpu.memory_space<vmem>>) dst(%dma_wait3A_90 : memref<10240x128xf32, #tpu.memory_space<vmem_shared>>)
          tpu.yield
        }) : () -> ()
        %mul3A_62 = arith.constant 2 : i32
        %mul3A_63 = arith.muli %mul3A_62, %scan3A_40 : i32
        %add3A_64 = arith.constant 1 : i32
        %add3A_65 = arith.addi %mul3A_63, %add3A_64 : i32
        %dma_wait3A_66 = arith.constant 0 : i32
        %dma_wait3A_67 = tpu.memref_slice %arg8[%add3A_65, %dma_wait3A_66] : memref<40x128xi32, #tpu.memory_space<vmem>> -> memref<1x128xi32, #tpu.memory_space<vmem>>
        %dma_wait3A_68 = tpu.memref_squeeze %dma_wait3A_67 : memref<1x128xi32, #tpu.memory_space<vmem>> -> memref<128xi32, #tpu.memory_space<vmem>>
        %dma_wait3A_69 = arith.constant 0 : i32
        %dma_wait3A_70 = arith.constant 0 : i32
        %dma_wait3A_71 = tpu.memref_slice %arg2[%dma_wait3A_69, %dma_wait3A_70] : memref<10240x128xf32, #tpu.memory_space<hbm>> -> memref<10240x128xf32, #tpu.memory_space<hbm>>
        tpu.wait_indirect_dma semaphore(%arg14 : memref<!tpu.dma_semaphore, #tpu.memory_space<semaphore_mem>>) src(%dma_wait3A_71 : memref<10240x128xf32, #tpu.memory_space<hbm>>) dst(%arg12 : memref<128x128xf32, #tpu.memory_space<vmem>>)
        %dma_wait3A_72 = arith.constant 0 : i32
        %dma_wait3A_73 = tpu.memref_slice %arg4[%add3A_21, %dma_wait3A_72] : memref<2560x128xi32, #tpu.memory_space<hbm>> -> memref<1x128xi32, #tpu.memory_space<hbm>>
        %dma_wait3A_74 = tpu.memref_squeeze %dma_wait3A_73 : memref<1x128xi32, #tpu.memory_space<hbm>> -> memref<128xi32, #tpu.memory_space<hbm>>
        %dma_wait3A_75 = arith.constant 0 : i32
        %dma_wait3A_76 = tpu.memref_slice %arg4[%add3A_21, %dma_wait3A_75] : memref<2560x128xi32, #tpu.memory_space<hbm>> -> memref<1x128xi32, #tpu.memory_space<hbm>>
        %dma_wait3A_77 = tpu.memref_squeeze %dma_wait3A_76 : memref<1x128xi32, #tpu.memory_space<hbm>> -> memref<128xi32, #tpu.memory_space<hbm>>
        tpu.wait_dma2 semaphore(%arg15 : memref<!tpu.dma_semaphore, #tpu.memory_space<semaphore_mem>>) src(%dma_wait3A_77 : memref<128xi32, #tpu.memory_space<hbm>>) dst(%arg10 : memref<128xi32, #tpu.memory_space<vmem>>)
        %add3A_78 = arith.constant 1 : i32
        %add3A_79 = arith.addi %add3A_65, %add3A_78 : i32
        %lt3A_80 = arith.constant 40 : i32
        %lt3A_81 = arith.cmpi slt, %add3A_79, %lt3A_80 : i32
        %convert_element_type3A_82 = arith.extui %lt3A_81 : i1 to i32
        %cond3A_83 = arith.constant 0 : i32
        %cond3A_84 = arith.cmpi ne, %convert_element_type3A_82, %cond3A_83 : i32
        scf.if %cond3A_84 {
          %add3A_85 = arith.constant 1 : i32
          %add3A_86 = arith.addi %add3A_65, %add3A_85 : i32
          %dma_start3A_87 = arith.constant 0 : i32
          %dma_start3A_88 = tpu.memref_slice %arg8[%add3A_86, %dma_start3A_87] : memref<40x128xi32, #tpu.memory_space<vmem>> -> memref<1x128xi32, #tpu.memory_space<vmem>>
          %dma_start3A_89 = tpu.memref_squeeze %dma_start3A_88 : memref<1x128xi32, #tpu.memory_space<vmem>> -> memref<128xi32, #tpu.memory_space<vmem>>
          %dma_start3A_90 = arith.constant 0 : i32
          %dma_start3A_91 = arith.constant 0 : i32
          %dma_start3A_92 = tpu.memref_slice %arg2[%dma_start3A_90, %dma_start3A_91] : memref<10240x128xf32, #tpu.memory_space<hbm>> -> memref<10240x128xf32, #tpu.memory_space<hbm>>
          tpu.enqueue_indirect_dma source(%dma_start3A_92 : memref<10240x128xf32, #tpu.memory_space<hbm>>) target(%arg11 : memref<128x128xf32, #tpu.memory_space<vmem>>) offsets(%dma_start3A_89 : memref<128xi32, #tpu.memory_space<vmem>>) semaphore(%arg14 : memref<!tpu.dma_semaphore, #tpu.memory_space<semaphore_mem>>)
          %add3A_93 = arith.addi %add3A_21, %add3A_65 : i32
          %add3A_94 = arith.constant 1 : i32
          %add3A_95 = arith.addi %add3A_93, %add3A_94 : i32
          %dma_start3A_96 = arith.constant 0 : i32
          %dma_start3A_97 = tpu.memref_slice %arg4[%add3A_95, %dma_start3A_96] : memref<2560x128xi32, #tpu.memory_space<hbm>> -> memref<1x128xi32, #tpu.memory_space<hbm>>
          %dma_start3A_98 = tpu.memref_squeeze %dma_start3A_97 : memref<1x128xi32, #tpu.memory_space<hbm>> -> memref<128xi32, #tpu.memory_space<hbm>>
          %dma_start3A_99 = arith.constant 0 : i32
          %dma_start3A_100 = tpu.memref_slice %arg4[%add3A_95, %dma_start3A_99] : memref<2560x128xi32, #tpu.memory_space<hbm>> -> memref<1x128xi32, #tpu.memory_space<hbm>>
          %dma_start3A_101 = tpu.memref_squeeze %dma_start3A_100 : memref<1x128xi32, #tpu.memory_space<hbm>> -> memref<128xi32, #tpu.memory_space<hbm>>
          tpu.enqueue_dma source(%dma_start3A_101 : memref<128xi32, #tpu.memory_space<hbm>>) target(%arg9 : memref<128xi32, #tpu.memory_space<vmem>>) target_semaphore(%arg15 : memref<!tpu.dma_semaphore, #tpu.memory_space<semaphore_mem>>)
        } else {
        }
        "tpu.region"() ({
          %run_scoped3A = tpu.sem_alloc : memref<!tpu.dma_semaphore, #tpu.memory_space<semaphore_mem>>
          %dma_start3A_85 = arith.constant 0 : i32
          %dma_start3A_86 = arith.constant 0 : i32
          %dma_start3A_87 = tpu.memref_slice %arg13[%dma_start3A_85, %dma_start3A_86] : memref<10240x128xf32, #tpu.memory_space<vmem_shared>> -> memref<10240x128xf32, #tpu.memory_space<vmem_shared>>
          tpu.enqueue_indirect_dma source(%arg12 : memref<128x128xf32, #tpu.memory_space<vmem>>) target(%dma_start3A_87 : memref<10240x128xf32, #tpu.memory_space<vmem_shared>>) offsets(%arg10 : memref<128xi32, #tpu.memory_space<vmem>>) semaphore(%run_scoped3A : memref<!tpu.dma_semaphore, #tpu.memory_space<semaphore_mem>>) {add = true}
          %dma_wait3A_88 = arith.constant 0 : i32
          %dma_wait3A_89 = arith.constant 0 : i32
          %dma_wait3A_90 = tpu.memref_slice %arg13[%dma_wait3A_88, %dma_wait3A_89] : memref<10240x128xf32, #tpu.memory_space<vmem_shared>> -> memref<10240x128xf32, #tpu.memory_space<vmem_shared>>
          tpu.wait_indirect_dma semaphore(%run_scoped3A : memref<!tpu.dma_semaphore, #tpu.memory_space<semaphore_mem>>) src(%arg12 : memref<128x128xf32, #tpu.memory_space<vmem>>) dst(%dma_wait3A_90 : memref<10240x128xf32, #tpu.memory_space<vmem_shared>>)
          tpu.yield
        }) : () -> ()
      }
      %scan3A_39 = arith.constant 20 : i32
    }
    %scan3A_7 = arith.constant 2 : i32
    %barrier3A_8 = arith.constant 0 : index
    tpu.barrier barrier_id(%barrier3A_8)
    %eq3A = arith.constant 0 : i32
    %eq3A_9 = arith.cmpi eq, %arg0, %eq3A : i32
    %convert_element_type3A = arith.extui %eq3A_9 : i1 to i32
    %cond3A = arith.constant 0 : i32
    %cond3A_10 = arith.cmpi ne, %convert_element_type3A, %cond3A : i32
    scf.if %cond3A_10 {
      %mul3A_16 = arith.constant 640 : i32
      %mul3A_17 = arith.muli %arg1, %mul3A_16 : i32
      %mul3A_18 = arith.constant 640 : i32
      %mul3A_19 = arith.muli %arg1, %mul3A_18 : i32
      "tpu.region"() ({
        %run_scoped3A = tpu.sem_alloc : memref<!tpu.dma_semaphore, #tpu.memory_space<semaphore_mem>>
        %dma_start3A = arith.constant 0 : i32
        %dma_start3A_20 = tpu.memref_slice %arg6[%mul3A_19, %dma_start3A] : memref<10240x128xf32, #tpu.memory_space<hbm>> -> memref<640x128xf32, #tpu.memory_space<hbm>>
        %dma_start3A_21 = arith.constant 0 : i32
        %dma_start3A_22 = tpu.memref_slice %arg13[%mul3A_17, %dma_start3A_21] : memref<10240x128xf32, #tpu.memory_space<vmem_shared>> -> memref<640x128xf32, #tpu.memory_space<vmem_shared>>
        tpu.enqueue_dma source(%dma_start3A_22 : memref<640x128xf32, #tpu.memory_space<vmem_shared>>) target(%dma_start3A_20 : memref<640x128xf32, #tpu.memory_space<hbm>>) target_semaphore(%run_scoped3A : memref<!tpu.dma_semaphore, #tpu.memory_space<semaphore_mem>>)
        %dma_wait3A = arith.constant 0 : i32
        %dma_wait3A_23 = tpu.memref_slice %arg6[%mul3A_19, %dma_wait3A] : memref<10240x128xf32, #tpu.memory_space<hbm>> -> memref<640x128xf32, #tpu.memory_space<hbm>>
        %dma_wait3A_24 = arith.constant 0 : i32
        %dma_wait3A_25 = tpu.memref_slice %arg13[%mul3A_17, %dma_wait3A_24] : memref<10240x128xf32, #tpu.memory_space<vmem_shared>> -> memref<640x128xf32, #tpu.memory_space<vmem_shared>>
        tpu.wait_dma2 semaphore(%run_scoped3A : memref<!tpu.dma_semaphore, #tpu.memory_space<semaphore_mem>>) src(%dma_wait3A_25 : memref<640x128xf32, #tpu.memory_space<vmem_shared>>) dst(%dma_wait3A_23 : memref<640x128xf32, #tpu.memory_space<hbm>>)
        tpu.yield
      }) : () -> ()
    } else {
    }
    %eq3A_11 = arith.constant 1 : i32
    %eq3A_12 = arith.cmpi eq, %arg0, %eq3A_11 : i32
    %convert_element_type3A_13 = arith.extui %eq3A_12 : i1 to i32
    %cond3A_14 = arith.constant 0 : i32
    %cond3A_15 = arith.cmpi ne, %convert_element_type3A_13, %cond3A_14 : i32
    scf.if %cond3A_15 {
      %mul3A_16 = arith.constant 640 : i32
      %mul3A_17 = arith.muli %arg1, %mul3A_16 : i32
      %mul3A_18 = arith.constant 640 : i32
      %mul3A_19 = arith.muli %arg1, %mul3A_18 : i32
      "tpu.region"() ({
        %run_scoped3A = tpu.sem_alloc : memref<!tpu.dma_semaphore, #tpu.memory_space<semaphore_mem>>
        %dma_start3A = arith.constant 0 : i32
        %dma_start3A_20 = tpu.memref_slice %arg7[%mul3A_19, %dma_start3A] : memref<10240x128xf32, #tpu.memory_space<hbm>> -> memref<640x128xf32, #tpu.memory_space<hbm>>
        %dma_start3A_21 = arith.constant 0 : i32
        %dma_start3A_22 = tpu.memref_slice %arg13[%mul3A_17, %dma_start3A_21] : memref<10240x128xf32, #tpu.memory_space<vmem_shared>> -> memref<640x128xf32, #tpu.memory_space<vmem_shared>>
        tpu.enqueue_dma source(%dma_start3A_22 : memref<640x128xf32, #tpu.memory_space<vmem_shared>>) target(%dma_start3A_20 : memref<640x128xf32, #tpu.memory_space<hbm>>) target_semaphore(%run_scoped3A : memref<!tpu.dma_semaphore, #tpu.memory_space<semaphore_mem>>)
        %dma_wait3A = arith.constant 0 : i32
        %dma_wait3A_23 = tpu.memref_slice %arg7[%mul3A_19, %dma_wait3A] : memref<10240x128xf32, #tpu.memory_space<hbm>> -> memref<640x128xf32, #tpu.memory_space<hbm>>
        %dma_wait3A_24 = arith.constant 0 : i32
        %dma_wait3A_25 = tpu.memref_slice %arg13[%mul3A_17, %dma_wait3A_24] : memref<10240x128xf32, #tpu.memory_space<vmem_shared>> -> memref<640x128xf32, #tpu.memory_space<vmem_shared>>
        tpu.wait_dma2 semaphore(%run_scoped3A : memref<!tpu.dma_semaphore, #tpu.memory_space<semaphore_mem>>) src(%dma_wait3A_25 : memref<640x128xf32, #tpu.memory_space<vmem_shared>>) dst(%dma_wait3A_23 : memref<640x128xf32, #tpu.memory_space<hbm>>)
        tpu.yield
      }) : () -> ()
    } else {
    }
    return
  }
}

module attributes {stable_mosaic.version = 14 : i64} {
  func.func @_mm_body(%arg0: i32, %arg1: memref<1024x128xf32, #tpu.memory_space<vmem>>, %arg2: memref<128x128xf32, #tpu.memory_space<vmem>>, %arg3: memref<1024x128xf32, #tpu.memory_space<vmem>>) attributes {dimension_semantics = [#tpu.dimension_semantics<arbitrary>], iteration_bounds = array<i64: 10>, scalar_prefetch = 0 : i64, scratch_operands = 0 : i64, tpu.core_type = #tpu.core_type<tc>, window_params = [{transform_indices = @transform_0, window_bounds = array<i64: 1024, 128>}, {pipeline_mode = #tpu.pipeline_mode<synchronous>, transform_indices = @transform_1, window_bounds = array<i64: 128, 128>}, {transform_indices = @transform_2, window_bounds = array<i64: 1024, 128>}]} {
    %get3A = arith.constant 0 : index
    %get3A_0 = arith.constant 0 : index
    %get3A_1 = vector.load %arg1[%get3A, %get3A_0] : memref<1024x128xf32, #tpu.memory_space<vmem>>, vector<1024x128xf32>
    %get3A_2 = arith.constant 0 : index
    %get3A_3 = arith.constant 0 : index
    %get3A_4 = vector.load %arg2[%get3A_2, %get3A_3] : memref<128x128xf32, #tpu.memory_space<vmem>>, vector<128x128xf32>
    %dot_general3A = arith.constant dense<0.000000e+00> : vector<1024x128xf32>
    %dot_general3A_5 = tpu.matmul %get3A_1, %get3A_4, %dot_general3A {dimension_numbers = #tpu.dot_dimension_numbers<[1], [0], [0], [1], [0, 0, 1, 1], [], []>, transpose_lhs_hint = false} : vector<1024x128xf32>, vector<128x128xf32>, vector<1024x128xf32> -> vector<1024x128xf32>
    %swap3A = arith.constant 0 : index
    %swap3A_6 = arith.constant 0 : index
    %swap3A_7 = vector.load %arg3[%swap3A, %swap3A_6] : memref<1024x128xf32, #tpu.memory_space<vmem>>, vector<1024x128xf32>
    tpu.vector_store %arg3[%swap3A, %swap3A_6], %dot_general3A_5 {strides = array<i32>} : memref<1024x128xf32, #tpu.memory_space<vmem>>, vector<1024x128xf32>,
    return
  }
  func.func @transform_0(%arg0: i32) -> (i32, i32) {
    %c0_i32 = arith.constant 0 : i32
    %c0_i32_0 = arith.constant 0 : i32
    return %arg0, %c0_i32 : i32, i32
  }
  func.func @transform_1(%arg0: i32) -> (i32, i32) {
    %c0_i32 = arith.constant 0 : i32
    %c0_i32_0 = arith.constant 0 : i32
    %c0_i32_1 = arith.constant 0 : i32
    return %c0_i32, %c0_i32_0 : i32, i32
  }
  func.func @transform_2(%arg0: i32) -> (i32, i32) {
    %c0_i32 = arith.constant 0 : i32
    %c0_i32_0 = arith.constant 0 : i32
    return %arg0, %c0_i32 : i32, i32
  }
}

module attributes {stable_mosaic.version = 14 : i64} {
  func.func @_prep_body(%arg0: i32, %arg1: memref<1024x128xf32, #tpu.memory_space<vmem>>, %arg2: memref<1024x128xf32, #tpu.memory_space<vmem>>, %arg3: memref<1024x128xf32, #tpu.memory_space<vmem>>, %arg4: memref<1024x128xf32, #tpu.memory_space<vmem>>) attributes {dimension_semantics = [#tpu.dimension_semantics<arbitrary>], iteration_bounds = array<i64: 10>, scalar_prefetch = 0 : i64, scratch_operands = 0 : i64, tpu.core_type = #tpu.core_type<tc>, window_params = [{transform_indices = @transform_0, window_bounds = array<i64: 1024, 128>}, {transform_indices = @transform_1, window_bounds = array<i64: 1024, 128>}, {transform_indices = @transform_2, window_bounds = array<i64: 1024, 128>}, {transform_indices = @transform_3, window_bounds = array<i64: 1024, 128>}]} {
    %get3A = arith.constant 0 : index
    %get3A_0 = arith.constant 0 : index
    %get3A_1 = vector.load %arg1[%get3A, %get3A_0] : memref<1024x128xf32, #tpu.memory_space<vmem>>, vector<1024x128xf32>
    %slice3A = vector.extract_strided_slice %get3A_1 {offsets = [0, 0], sizes = [1024, 1], strides = [1, 1]} : vector<1024x128xf32> to vector<1024x1xf32>
    %add3A = arith.constant 1.000000e+00 : f32
    %add3A_2 = vector.broadcast %add3A : f32 to vector<1024x1xf32>
    %add3A_3 = arith.addf %add3A_2, %slice3A : vector<1024x1xf32>
    %get3A_4 = arith.constant 0 : index
    %get3A_5 = arith.constant 0 : index
    %get3A_6 = vector.load %arg2[%get3A_4, %get3A_5] : memref<1024x128xf32, #tpu.memory_space<vmem>>, vector<1024x128xf32>
    %slice3A_7 = vector.extract_strided_slice %get3A_6 {offsets = [0, 0], sizes = [1024, 1], strides = [1, 1]} : vector<1024x128xf32> to vector<1024x1xf32>
    %add3A_8 = arith.addf %add3A_3, %slice3A_7 : vector<1024x1xf32>
    %rsqrt3A = math.rsqrt %add3A_8 : vector<1024x1xf32>
    %get3A_9 = arith.constant 0 : index
    %get3A_10 = arith.constant 0 : index
    %get3A_11 = vector.load %arg3[%get3A_9, %get3A_10] : memref<1024x128xf32, #tpu.memory_space<vmem>>, vector<1024x128xf32>
    %mul3A = vector.broadcast %rsqrt3A : vector<1024x1xf32> to vector<1024x128xf32>
    %mul3A_12 = arith.mulf %mul3A, %get3A_11 : vector<1024x128xf32>
    %swap3A = arith.constant 0 : index
    %swap3A_13 = arith.constant 0 : index
    %swap3A_14 = vector.load %arg4[%swap3A, %swap3A_13] : memref<1024x128xf32, #tpu.memory_space<vmem>>, vector<1024x128xf32>
    tpu.vector_store %arg4[%swap3A, %swap3A_13], %mul3A_12 {strides = array<i32>} : memref<1024x128xf32, #tpu.memory_space<vmem>>, vector<1024x128xf32>,
    return
  }
  func.func @transform_0(%arg0: i32) -> (i32, i32) {
    %c0_i32 = arith.constant 0 : i32
    %c0_i32_0 = arith.constant 0 : i32
    return %arg0, %c0_i32 : i32, i32
  }
  func.func @transform_1(%arg0: i32) -> (i32, i32) {
    %c0_i32 = arith.constant 0 : i32
    %c0_i32_0 = arith.constant 0 : i32
    return %arg0, %c0_i32 : i32, i32
  }
  func.func @transform_2(%arg0: i32) -> (i32, i32) {
    %c0_i32 = arith.constant 0 : i32
    %c0_i32_0 = arith.constant 0 : i32
    return %arg0, %c0_i32 : i32, i32
  }
  func.func @transform_3(%arg0: i32) -> (i32, i32) {
    %c0_i32 = arith.constant 0 : i32
    %c0_i32_0 = arith.constant 0 : i32
    return %arg0, %c0_i32 : i32, i32
  }
}

module attributes {stable_mosaic.version = 14 : i64} {
  func.func @_fuse1_body(%arg0: i32, %arg1: memref<1024x128xf32, #tpu.memory_space<vmem>>, %arg2: memref<1024x128xf32, #tpu.memory_space<vmem>>, %arg3: memref<1024x128xf32, #tpu.memory_space<vmem>>, %arg4: memref<1024x128xf32, #tpu.memory_space<vmem>>, %arg5: memref<1024x128xf32, #tpu.memory_space<vmem>>, %arg6: memref<1x128xf32, #tpu.memory_space<vmem>>, %arg7: memref<128x128xf32, #tpu.memory_space<vmem>>, %arg8: memref<1024x128xf32, #tpu.memory_space<vmem>>, %arg9: memref<1024x128xf32, #tpu.memory_space<vmem>>) attributes {dimension_semantics = [#tpu.dimension_semantics<arbitrary>], iteration_bounds = array<i64: 10>, scalar_prefetch = 0 : i64, scratch_operands = 0 : i64, tpu.core_type = #tpu.core_type<tc>, window_params = [{transform_indices = @transform_0, window_bounds = array<i64: 1024, 128>}, {transform_indices = @transform_1, window_bounds = array<i64: 1024, 128>}, {transform_indices = @transform_2, window_bounds = array<i64: 1024, 128>}, {transform_indices = @transform_3, window_bounds = array<i64: 1024, 128>}, {transform_indices = @transform_4, window_bounds = array<i64: 1024, 128>}, {pipeline_mode = #tpu.pipeline_mode<synchronous>, transform_indices = @transform_5, window_bounds = array<i64: 1, 128>}, {pipeline_mode = #tpu.pipeline_mode<synchronous>, transform_indices = @transform_6, window_bounds = array<i64: 128, 128>}, {transform_indices = @transform_7, window_bounds = array<i64: 1024, 128>}, {transform_indices = @transform_8, window_bounds = array<i64: 1024, 128>}]} {
    %get3A = arith.constant 0 : index
    %get3A_0 = arith.constant 0 : index
    %get3A_1 = vector.load %arg1[%get3A, %get3A_0] : memref<1024x128xf32, #tpu.memory_space<vmem>>, vector<1024x128xf32>
    %slice3A = vector.extract_strided_slice %get3A_1 {offsets = [0, 0], sizes = [1024, 1], strides = [1, 1]} : vector<1024x128xf32> to vector<1024x1xf32>
    %add3A = arith.constant 1.000000e+00 : f32
    %add3A_2 = vector.broadcast %add3A : f32 to vector<1024x1xf32>
    %add3A_3 = arith.addf %add3A_2, %slice3A : vector<1024x1xf32>
    %get3A_4 = arith.constant 0 : index
    %get3A_5 = arith.constant 0 : index
    %get3A_6 = vector.load %arg2[%get3A_4, %get3A_5] : memref<1024x128xf32, #tpu.memory_space<vmem>>, vector<1024x128xf32>
    %slice3A_7 = vector.extract_strided_slice %get3A_6 {offsets = [0, 0], sizes = [1024, 1], strides = [1, 1]} : vector<1024x128xf32> to vector<1024x1xf32>
    %add3A_8 = arith.addf %add3A_3, %slice3A_7 : vector<1024x1xf32>
    %rsqrt3A = math.rsqrt %add3A_8 : vector<1024x1xf32>
    %get3A_9 = arith.constant 0 : index
    %get3A_10 = arith.constant 0 : index
    %get3A_11 = vector.load %arg3[%get3A_9, %get3A_10] : memref<1024x128xf32, #tpu.memory_space<vmem>>, vector<1024x128xf32>
    %get3A_12 = arith.constant 0 : index
    %get3A_13 = arith.constant 0 : index
    %get3A_14 = vector.load %arg4[%get3A_12, %get3A_13] : memref<1024x128xf32, #tpu.memory_space<vmem>>, vector<1024x128xf32>
    %add3A_15 = arith.addf %get3A_11, %get3A_14 : vector<1024x128xf32>
    %mul3A = vector.broadcast %rsqrt3A : vector<1024x1xf32> to vector<1024x128xf32>
    %mul3A_16 = arith.mulf %mul3A, %add3A_15 : vector<1024x128xf32>
    %mul3A_17 = arith.mulf %rsqrt3A, %rsqrt3A : vector<1024x1xf32>
    %get3A_18 = arith.constant 0 : index
    %get3A_19 = arith.constant 0 : index
    %get3A_20 = vector.load %arg5[%get3A_18, %get3A_19] : memref<1024x128xf32, #tpu.memory_space<vmem>>, vector<1024x128xf32>
    %mul3A_21 = vector.broadcast %mul3A_17 : vector<1024x1xf32> to vector<1024x128xf32>
    %mul3A_22 = arith.mulf %mul3A_21, %get3A_20 : vector<1024x128xf32>
    %add3A_23 = arith.addf %mul3A_16, %mul3A_22 : vector<1024x128xf32>
    %get3A_24 = arith.constant 0 : index
    %get3A_25 = arith.constant 0 : index
    %get3A_26 = vector.load %arg6[%get3A_24, %get3A_25] : memref<1x128xf32, #tpu.memory_space<vmem>>, vector<1x128xf32>
    %add3A_27 = vector.broadcast %get3A_26 : vector<1x128xf32> to vector<1024x128xf32>
    %add3A_28 = arith.addf %add3A_23, %add3A_27 : vector<1024x128xf32>
    %max3A = arith.constant 0.000000e+00 : f32
    %max3A_29 = vector.broadcast %max3A : f32 to vector<1024x128xf32>
    %max3A_30 = arith.maximumf %add3A_28, %max3A_29 : vector<1024x128xf32>
    %get3A_31 = arith.constant 0 : index
    %get3A_32 = arith.constant 0 : index
    %get3A_33 = vector.load %arg7[%get3A_31, %get3A_32] : memref<128x128xf32, #tpu.memory_space<vmem>>, vector<128x128xf32>
    %dot_general3A = arith.constant dense<0.000000e+00> : vector<1024x128xf32>
    %dot_general3A_34 = tpu.matmul %max3A_30, %get3A_33, %dot_general3A {dimension_numbers = #tpu.dot_dimension_numbers<[1], [0], [0], [1], [0, 0, 1, 1], [], []>, transpose_lhs_hint = false} : vector<1024x128xf32>, vector<128x128xf32>, vector<1024x128xf32> -> vector<1024x128xf32>
    %swap3A = arith.constant 0 : index
    %swap3A_35 = arith.constant 0 : index
    %swap3A_36 = vector.load %arg8[%swap3A, %swap3A_35] : memref<1024x128xf32, #tpu.memory_space<vmem>>, vector<1024x128xf32>
    tpu.vector_store %arg8[%swap3A, %swap3A_35], %dot_general3A_34 {strides = array<i32>} : memref<1024x128xf32, #tpu.memory_space<vmem>>, vector<1024x128xf32>,
    %mul3A_37 = vector.broadcast %rsqrt3A : vector<1024x1xf32> to vector<1024x128xf32>
    %mul3A_38 = arith.mulf %mul3A_37, %dot_general3A_34 : vector<1024x128xf32>
    %swap3A_39 = arith.constant 0 : index
    %swap3A_40 = arith.constant 0 : index
    %swap3A_41 = vector.load %arg9[%swap3A_39, %swap3A_40] : memref<1024x128xf32, #tpu.memory_space<vmem>>, vector<1024x128xf32>
    tpu.vector_store %arg9[%swap3A_39, %swap3A_40], %mul3A_38 {strides = array<i32>} : memref<1024x128xf32, #tpu.memory_space<vmem>>, vector<1024x128xf32>,
    return
  }
  func.func @transform_0(%arg0: i32) -> (i32, i32) {
    %c0_i32 = arith.constant 0 : i32
    %c0_i32_0 = arith.constant 0 : i32
    return %arg0, %c0_i32 : i32, i32
  }
  func.func @transform_1(%arg0: i32) -> (i32, i32) {
    %c0_i32 = arith.constant 0 : i32
    %c0_i32_0 = arith.constant 0 : i32
    return %arg0, %c0_i32 : i32, i32
  }
  func.func @transform_2(%arg0: i32) -> (i32, i32) {
    %c0_i32 = arith.constant 0 : i32
    %c0_i32_0 = arith.constant 0 : i32
    return %arg0, %c0_i32 : i32, i32
  }
  func.func @transform_3(%arg0: i32) -> (i32, i32) {
    %c0_i32 = arith.constant 0 : i32
    %c0_i32_0 = arith.constant 0 : i32
    return %arg0, %c0_i32 : i32, i32
  }
  func.func @transform_4(%arg0: i32) -> (i32, i32) {
    %c0_i32 = arith.constant 0 : i32
    %c0_i32_0 = arith.constant 0 : i32
    return %arg0, %c0_i32 : i32, i32
  }
  func.func @transform_5(%arg0: i32) -> (i32, i32) {
    %c0_i32 = arith.constant 0 : i32
    %c0_i32_0 = arith.constant 0 : i32
    %c0_i32_1 = arith.constant 0 : i32
    return %c0_i32, %c0_i32_0 : i32, i32
  }
  func.func @transform_6(%arg0: i32) -> (i32, i32) {
    %c0_i32 = arith.constant 0 : i32
    %c0_i32_0 = arith.constant 0 : i32
    %c0_i32_1 = arith.constant 0 : i32
    return %c0_i32, %c0_i32_0 : i32, i32
  }
  func.func @transform_7(%arg0: i32) -> (i32, i32) {
    %c0_i32 = arith.constant 0 : i32
    %c0_i32_0 = arith.constant 0 : i32
    return %arg0, %c0_i32 : i32, i32
  }
  func.func @transform_8(%arg0: i32) -> (i32, i32) {
    %c0_i32 = arith.constant 0 : i32
    %c0_i32_0 = arith.constant 0 : i32
    return %arg0, %c0_i32 : i32, i32
  }
}

module attributes {stable_mosaic.version = 14 : i64} {
  func.func @_fuse2_body(%arg0: i32, %arg1: memref<1024x128xf32, #tpu.memory_space<vmem>>, %arg2: memref<1024x128xf32, #tpu.memory_space<vmem>>, %arg3: memref<1024x128xf32, #tpu.memory_space<vmem>>, %arg4: memref<1024x128xf32, #tpu.memory_space<vmem>>, %arg5: memref<1024x128xf32, #tpu.memory_space<vmem>>, %arg6: memref<1x128xf32, #tpu.memory_space<vmem>>, %arg7: memref<1024x128xf32, #tpu.memory_space<vmem>>) attributes {dimension_semantics = [#tpu.dimension_semantics<arbitrary>], iteration_bounds = array<i64: 10>, scalar_prefetch = 0 : i64, scratch_operands = 0 : i64, tpu.core_type = #tpu.core_type<tc>, window_params = [{transform_indices = @transform_0, window_bounds = array<i64: 1024, 128>}, {transform_indices = @transform_1, window_bounds = array<i64: 1024, 128>}, {transform_indices = @transform_2, window_bounds = array<i64: 1024, 128>}, {transform_indices = @transform_3, window_bounds = array<i64: 1024, 128>}, {transform_indices = @transform_4, window_bounds = array<i64: 1024, 128>}, {pipeline_mode = #tpu.pipeline_mode<synchronous>, transform_indices = @transform_5, window_bounds = array<i64: 1, 128>}, {transform_indices = @transform_6, window_bounds = array<i64: 1024, 128>}]} {
    %get3A = arith.constant 0 : index
    %get3A_0 = arith.constant 0 : index
    %get3A_1 = vector.load %arg1[%get3A, %get3A_0] : memref<1024x128xf32, #tpu.memory_space<vmem>>, vector<1024x128xf32>
    %slice3A = vector.extract_strided_slice %get3A_1 {offsets = [0, 0], sizes = [1024, 1], strides = [1, 1]} : vector<1024x128xf32> to vector<1024x1xf32>
    %add3A = arith.constant 1.000000e+00 : f32
    %add3A_2 = vector.broadcast %add3A : f32 to vector<1024x1xf32>
    %add3A_3 = arith.addf %add3A_2, %slice3A : vector<1024x1xf32>
    %get3A_4 = arith.constant 0 : index
    %get3A_5 = arith.constant 0 : index
    %get3A_6 = vector.load %arg2[%get3A_4, %get3A_5] : memref<1024x128xf32, #tpu.memory_space<vmem>>, vector<1024x128xf32>
    %slice3A_7 = vector.extract_strided_slice %get3A_6 {offsets = [0, 0], sizes = [1024, 1], strides = [1, 1]} : vector<1024x128xf32> to vector<1024x1xf32>
    %add3A_8 = arith.addf %add3A_3, %slice3A_7 : vector<1024x1xf32>
    %rsqrt3A = math.rsqrt %add3A_8 : vector<1024x1xf32>
    %get3A_9 = arith.constant 0 : index
    %get3A_10 = arith.constant 0 : index
    %get3A_11 = vector.load %arg3[%get3A_9, %get3A_10] : memref<1024x128xf32, #tpu.memory_space<vmem>>, vector<1024x128xf32>
    %get3A_12 = arith.constant 0 : index
    %get3A_13 = arith.constant 0 : index
    %get3A_14 = vector.load %arg4[%get3A_12, %get3A_13] : memref<1024x128xf32, #tpu.memory_space<vmem>>, vector<1024x128xf32>
    %add3A_15 = arith.addf %get3A_11, %get3A_14 : vector<1024x128xf32>
    %mul3A = vector.broadcast %rsqrt3A : vector<1024x1xf32> to vector<1024x128xf32>
    %mul3A_16 = arith.mulf %mul3A, %add3A_15 : vector<1024x128xf32>
    %mul3A_17 = arith.mulf %rsqrt3A, %rsqrt3A : vector<1024x1xf32>
    %get3A_18 = arith.constant 0 : index
    %get3A_19 = arith.constant 0 : index
    %get3A_20 = vector.load %arg5[%get3A_18, %get3A_19] : memref<1024x128xf32, #tpu.memory_space<vmem>>, vector<1024x128xf32>
    %mul3A_21 = vector.broadcast %mul3A_17 : vector<1024x1xf32> to vector<1024x128xf32>
    %mul3A_22 = arith.mulf %mul3A_21, %get3A_20 : vector<1024x128xf32>
    %add3A_23 = arith.addf %mul3A_16, %mul3A_22 : vector<1024x128xf32>
    %get3A_24 = arith.constant 0 : index
    %get3A_25 = arith.constant 0 : index
    %get3A_26 = vector.load %arg6[%get3A_24, %get3A_25] : memref<1x128xf32, #tpu.memory_space<vmem>>, vector<1x128xf32>
    %add3A_27 = vector.broadcast %get3A_26 : vector<1x128xf32> to vector<1024x128xf32>
    %add3A_28 = arith.addf %add3A_23, %add3A_27 : vector<1024x128xf32>
    %swap3A = arith.constant 0 : index
    %swap3A_29 = arith.constant 0 : index
    %swap3A_30 = vector.load %arg7[%swap3A, %swap3A_29] : memref<1024x128xf32, #tpu.memory_space<vmem>>, vector<1024x128xf32>
    tpu.vector_store %arg7[%swap3A, %swap3A_29], %add3A_28 {strides = array<i32>} : memref<1024x128xf32, #tpu.memory_space<vmem>>, vector<1024x128xf32>,
    return
  }
  func.func @transform_0(%arg0: i32) -> (i32, i32) {
    %c0_i32 = arith.constant 0 : i32
    %c0_i32_0 = arith.constant 0 : i32
    return %arg0, %c0_i32 : i32, i32
  }
  func.func @transform_1(%arg0: i32) -> (i32, i32) {
    %c0_i32 = arith.constant 0 : i32
    %c0_i32_0 = arith.constant 0 : i32
    return %arg0, %c0_i32 : i32, i32
  }
  func.func @transform_2(%arg0: i32) -> (i32, i32) {
    %c0_i32 = arith.constant 0 : i32
    %c0_i32_0 = arith.constant 0 : i32
    return %arg0, %c0_i32 : i32, i32
  }
  func.func @transform_3(%arg0: i32) -> (i32, i32) {
    %c0_i32 = arith.constant 0 : i32
    %c0_i32_0 = arith.constant 0 : i32
    return %arg0, %c0_i32 : i32, i32
  }
  func.func @transform_4(%arg0: i32) -> (i32, i32) {
    %c0_i32 = arith.constant 0 : i32
    %c0_i32_0 = arith.constant 0 : i32
    return %arg0, %c0_i32 : i32, i32
  }
  func.func @transform_5(%arg0: i32) -> (i32, i32) {
    %c0_i32 = arith.constant 0 : i32
    %c0_i32_0 = arith.constant 0 : i32
    %c0_i32_1 = arith.constant 0 : i32
    return %c0_i32, %c0_i32_0 : i32, i32
  }
  func.func @transform_6(%arg0: i32) -> (i32, i32) {
    %c0_i32 = arith.constant 0 : i32
    %c0_i32_0 = arith.constant 0 : i32
    return %arg0, %c0_i32 : i32, i32
  }
}

</mosaic_0001>

<sc_bundles>
// kernel: kernel.12.cloned.1.call-start
scs
__scs_entry_jumppad:
0x0: {  	(pc) =	sbr.rel $0x88, $3  }
0x1: {  	(tag) =	ssettag $0x0;
	lr =	simm.s32 $0x1  }
0x2: {  	[smem:$0x3F9B] =	sst lr;
	_ =	strace $0xD0000000  }
0x3: {  	_ = 	snop  }
0x4: {  	_ = 	snop  }
0x5: {  	_ = 	snop  }
0x6: {  	_ = 	snop  }
0x7: {  	_ = 	snop  }
__scs_overlays_trampoline_lowered:
0x8: {  	[smem:$0x3FAA] =	sst s0  }
0x9: {  	[smem:$0x3FAB] =	sst s1  }
0xa: {  	[smem:$0x3FAC] =	sst s2  }
0xb: {  	[smem:$0x3FAD] =	sst s3  }
0xc: {  	[smem:$0x3FAE] =	sst s4  }
0xd: {  	[smem:$0x3FAF] =	sst s5  }
0xe: {  	[smem:$0x3FB0] =	sst s6  }
0xf: {  	[smem:$0x3FB1] =	sst s7  }
0x10: {  	[smem:$0x3FB2] =	sst s8  }
0x11: {  	[smem:$0x3FB3] =	sst s9;
	s0 =	simm.s32 @!p0 $0x0  }
0x12: {  	s1 =	sld [smem:$0x3F99];
	s0 =	simm.s32 @p0 $0x1  }
0x13: {  	[smem:$0x3FB4] =	sst s0;
	s0 =	simm.s32 @!p1 $0x0  }
0x14: {  	s2 =	sld [smem:$0x3F98];
	s0 =	simm.s32 @p1 $0x1  }
0x15: {  	[smem:$0x3FB5] =	sst s0;
	s0 =	simm.s32 @!p2 $0x0  }
0x16: {  	s3 =	sld [smem:$0x3FDB];
	s0 =	simm.s32 @p2 $0x1  }
0x17: {  	s4 =	simm.s32 $0x1BF5;
	[smem:$0x3FB7] =	sst s0  }
0x18: {  	s0 =	sld [smem:$0x3F9A];
	_ =	swait.ge [sflag:s4], $0x0  }
0x19: {  	s7 =	sld [smem:$0x3F9B]  }
0x1a: {  	s8 =	sadd.s32 $0xFFFFE003, lr  }
0x1b: {  	s9 =	sadd.s32 $0xFFFFFEF7, lr;
	s5 =	simm.s32 $0xFFFFFFFF;
	p2 =	slt.u32 s8, $0xFFFFF086  }
0x1c: {  	p1 =	slt.u32 s9, $0xF7A;
	s5 =	simm.s32 @!p2 $0x0  }
0x1d: {  	s5 =	simm.s32 @p1 $0x1;
	p0 =	seq.s32 s7, s2  }
0x1e: {  	s7 =	smul.u32 @!p0 $0xF7A, s2;
	p2 =	seq.s32 @!p0 s5, $0x0  }
0x1f: {  	s9 =	smul.u32 $0xF7A, s1;
	s8 =	simm.s32 @!p0 $0x1BF5;
	p2 =	por !p2, p0  }
0x20: {  	[sflag:s8] =	ssyncset.s32 @!p0 $0xFFFFF086;
	s6 =	sadd.s32 @!p0 s3, s7;
	s7 =	simm.s32 @!p0 $0x108  }
0x21: {  	s3 =	sadd.s32 s3, s9;
	s6 =	sadd.s32 @!p0 $0x88, s6;
	s7 =	simm.s32 @p2 $0x1082  }
0x22: {  	[simem:s7], [sflag:s8] =	dma.local @!p0 [hbm:s6], $0xF7A  }
0x23: {  	s9 =	sor.u32 $0xD0000000, s2;
	s6 =	simm.s32 $0x108;
	_ =	swait.ge @!p0 [sflag:s8], $0x0  }
0x24: {  	s3 =	sadd.s32 $0x88, s3;
	s6 =	simm.s32 @!p1 $0x1082;
	[sflag:s4] =	ssyncset.s32 $0xFFFFF086  }
0x25: {  	[simem:s6], [sflag:s4] =	dma.local [hbm:s3], $0xF7A  }
0x26: {  	[smem:$0x3F9B] =	sst s1;
	(tag) =	ssettag s2;
	_ =	strace s9  }
0x27: {  	s1 =	sld [smem:$0x3FAB]  }
0x28: {  	s2 =	sld [smem:$0x3FAC]  }
0x29: {  	s4 =	sld [smem:$0x3FAE]  }
0x2a: {  	p0 =	seq.s32 s5, $0x0;
	s5 =	sld [smem:$0x3FAF]  }
0x2b: {  	s6 =	sld [smem:$0x3FB0]  }
0x2c: {  	s7 =	sld [smem:$0x3FB1]  }
0x2d: {  	s3 =	simm.s32 $0x108;
	s8 =	sld [smem:$0x3FB2]  }
0x2e: {  	s3 =	simm.s32 @!p0 $0x1082;
	s9 =	sld [smem:$0x3FB3]  }
0x2f: {  	lr =	sadd.s32 s0, s3;
	s0 =	sld [smem:$0x3FAA]  }
0x30: {  	s3 =	sld [smem:$0x3FAD]  }
0x31: {  	[smem:$0x3FB6] =	sst s10  }
0x32: {  	s10 =	sld [smem:$0x3FB4];
	_ =	sdelay $0x3  }
0x33: {  	p0 =	seq.s32 s10, $0x1;
	s10 =	sld [smem:$0x3FB6];
	_ =	sdelay $0x3  }
0x34: {  	[smem:$0x3FB6] =	sst s10  }
0x35: {  	s10 =	sld [smem:$0x3FB5];
	_ =	sdelay $0x3  }
0x36: {  	p1 =	seq.s32 s10, $0x1;
	s10 =	sld [smem:$0x3FB6];
	_ =	sdelay $0x3  }
0x37: {  	[smem:$0x3FB6] =	sst s10  }
0x38: {  	s10 =	sld [smem:$0x3FB7]  }
0x39: {  	_ = 	snop;
	(pc) =	sbr.ind lr, $3  }
0x3a: {  	_ = 	snop  }
0x3b: {  	_ = 	snop  }
0x3c: {  	p2 =	seq.s32 s10, $0x1;
	s10 =	sld [smem:$0x3FB6]  }
0x3d: {  	_ =	shalt  }
0x3e: {  	_ =	shalt  }
0x3f: {  	_ =	shalt  }
0x40: {  	_ =	shalt  }
0x41: {  	_ =	shalt  }
0x42: {  	_ =	shalt  }
0x43: {  	_ =	shalt  }
0x44: {  	_ =	shalt  }
0x45: {  	_ =	shalt  }
0x46: {  	_ =	shalt  }
0x47: {  	_ =	shalt  }
0x48: {  	_ =	shalt  }
0x49: {  	_ =	shalt  }
0x4a: {  	_ =	shalt  }
0x4b: {  	_ =	shalt  }
0x4c: {  	_ =	shalt  }
0x4d: {  	_ =	shalt  }
0x4e: {  	_ =	shalt  }
0x4f: {  	_ =	shalt  }
0x50: {  	_ =	shalt  }
0x51: {  	_ =	shalt  }
0x52: {  	_ =	shalt  }
0x53: {  	_ =	shalt  }
0x54: {  	_ =	shalt  }
0x55: {  	_ =	shalt  }
0x56: {  	_ =	shalt  }
0x57: {  	_ =	shalt  }
0x58: {  	_ =	shalt  }
0x59: {  	_ =	shalt  }
0x5a: {  	_ =	shalt  }
0x5b: {  	_ =	shalt  }
0x5c: {  	_ =	shalt  }
0x5d: {  	_ =	shalt  }
0x5e: {  	_ =	shalt  }
0x5f: {  	_ =	shalt  }
0x60: {  	_ =	shalt  }
0x61: {  	_ =	shalt  }
0x62: {  	_ =	shalt  }
0x63: {  	_ =	shalt  }
0x64: {  	_ =	shalt  }
0x65: {  	_ =	shalt  }
0x66: {  	_ =	shalt  }
0x67: {  	_ =	shalt  }
0x68: {  	_ =	shalt  }
0x69: {  	_ =	shalt  }
0x6a: {  	_ =	shalt  }
0x6b: {  	_ =	shalt  }
0x6c: {  	_ =	shalt  }
0x6d: {  	_ =	shalt  }
0x6e: {  	_ =	shalt  }
0x6f: {  	_ =	shalt  }
0x70: {  	_ =	shalt  }
0x71: {  	_ =	shalt  }
0x72: {  	_ =	shalt  }
0x73: {  	_ =	shalt  }
0x74: {  	_ =	shalt  }
0x75: {  	_ =	shalt  }
0x76: {  	_ =	shalt  }
0x77: {  	_ =	shalt  }
0x78: {  	_ =	shalt  }
0x79: {  	_ =	shalt  }
0x7a: {  	_ =	shalt  }
0x7b: {  	_ =	shalt  }
0x7c: {  	_ =	shalt  }
0x7d: {  	_ =	shalt  }
0x7e: {  	_ =	shalt  }
0x7f: {  	_ =	shalt  }
0x80: {  	_ =	shalt  }
0x81: {  	_ =	shalt  }
0x82: {  	_ =	shalt  }
0x83: {  	_ =	shalt  }
0x84: {  	_ =	shalt  }
0x85: {  	_ =	shalt  }
0x86: {  	_ =	shalt  }
0x87: {  	_ =	shalt  }
.Lfunc_end0:
.L_simem_size_0:
called_computation.1_lowered:
.L_overlay_start_0:
0x88: {  	s2 =	sld [smem:$0x3FD9]  }
0x89: {  	s3 =	sld [smem:$0x3FFE];
	_ =	sdelay $0x1  }
0x8a: {  	s1 =	srdreg.scid  }
0x8b: {  	s0 =	sand.u32 $0x1, s1  }
0x8c: {  	s17 =	sshll.u32 s0, $0xA;
	s2 =	sadd.s32 s3, s2  }
0x8d: {  	s2 =	sadd.s32 s2, s17  }
0x8e: {  	[smem:$0x3FC2] =	sst s2  }
0x8f: {  	_ = 	snop  }
0x90: {  	s2 =	sld [smem:$0x3FD0];
	(tm) =	ssettm $0x1  }
0x91: {  	s18 =	sld [smem:$0x3FFB];
	_ =	sdelay $0x3  }
0x92: {  	_ =	strace s18  }
0x93: {  	s3 =	sld [smem:$0x3FFC];
	_ =	sdelay $0x3  }
0x94: {  	_ =	strace s3  }
0x95: {  	s3 =	sld [smem:$0x3FFD];
	_ =	sdelay $0x3  }
0x96: {  	_ =	strace s3  }
0x97: {  	_ =	strace $0x8FFFFFFF  }
0x98: {  	s19 =	sld [smem:$0x3FDB];
	_ =	sdelay $0x1  }
0x99: {  	s4 =	simm.s32 $_scs_section_size  }
0x9a: {  	s5 =	simm.s32 $_size__tile_overlayer_lowered;
	s6 =	simm.s32 $_tile_overlayer_lowered  }
0x9b: {  	s22 =	simm.s32 $0x1BFF;
	s21 =	sshll.u32 s6, $0x1;
	s3 =	sadd.s32 s4, s19  }
0x9c: {  	s7 =	simm.s32 $0x0;
	s20 =	sshll.u32 s5, $0x1;
	s5 =	sadd.s32 s21, s3  }
0x9d: {  	[timem:s7], [sflag:s22] =	dma.local [hbm:s5], s20  }
0x9e: {  	_ =	swait.ge [sflag:s22], s20  }
0x9f: {  	s4 =	ssub.s32 $0x0, s20;
	[sflag:s22] =	ssyncset.done $0x0  }
0xa0: {  	[sflag:s22] =	ssyncadd.s32 s4;
	_ =	sdelay $0x1  }
0xa1: {  	s23 =	simm.s32 $0x1B8B  }
0xa2: {  	_ =	swait.ge [sflag:s23], $0x1  }
0xa3: {  	[sflag:s23] =	ssyncset.done $0x0  }
0xa4: {  	s25 =	simm.s32 $0x1B8E;
	s24 =	sld [smem:$0x3FFE];
	[sflag:s23] =	ssyncadd.s32 $0xFFFFFFFF  }
0xa5: {  	s26 =	simm.s32 $execute0_lowered;
	[smem:$0x3FD2] =	sst s25  }
0xa6: {  	s5 =	sshll.u32 s26, $0x1;
	_ =	strace $0x80000049;
	[dreg:$0x1] =	wrdreg $0xFFFFFFFF  }
0xa7: {  	s28 =	simm.s32 $_size_execute0_lowered;
	s3 =	sadd.s32 s3, s5;
	[dreg:$0x0] =	wrdreg $0x0  }
0xa8: {  	s5 =	sshll.u32 s28, $0x1;
	[dreg:$0x2] =	wrdreg s3  }
0xa9: {  	[dreg:$0x3] =	wrdreg s5  }
0xaa: {  	[dreg:$0x4] =	wrdreg $0xC0  }
0xab: {  	_ =	task [dreg:s7], $0x5FFFF  }
0xac: {  	[dreg:$0x1] =	wrdreg $0xFFFFFFFF  }
0xad: {  	[dreg:$0x0] =	wrdreg $0x60  }
0xae: {  	[dreg:$0x2] =	wrdreg s24  }
0xaf: {  	[dreg:$0x3] =	wrdreg s2  }
0xb0: {  	[dreg:$0x4] =	wrdreg $0x95000  }
0xb1: {  	[dreg:$0x5] =	wrdreg $0x9  }
0xb2: {  	_ =	task.clear_ibuf [dreg:s7], $0x6FFFF;
	_ =	strace $0x90000049  }
0xb3: {  	s29 =	simm.s32 $0x9;
	_ =	strace $0x8000004B  }
0xb4: {  	_ =	swait.ge [sflag:s29], $0x1  }
0xb5: {  	[sflag:s29] =	ssyncadd.s32 $0xFFFFFFFF  }
0xb6: {  	_ =	strace $0x9000004B  }
0xb7: {  	_ =	sfence  }
0xb8: {  	s30 =	sld [smem:$0x0];
	_ =	sdelay $0x2  }
0xb9: {  	s31 =	sshll.u32 s1, $0xD;
	s1 =	sshrl.u32 s1, $0x2  }
0xba: {  	s3 =	sand.u32 $0x4000, s31;
	s1 =	sadd.s32 s1, s30  }
0xbb: {  	s0 =	sor.u32 s3, s0;
	s1 =	sshll.u32 s1, $0x11  }
0xbc: {  	s0 =	sor.u32 s1, s0  }
0xbd: {  	s0 =	sadd.s32 $0x8F2B, s0  }
0xbe: {  	[sflag:s0] =	ssyncadd.remote.s32 $0x1  }
0xbf: {  	_ =	sfence.sel $0xFFFF  }
0xc0: {  	[dreg:$0x0] =	wrdreg $0xFFFFFFFF;
	(pc) =	sbr.abs _section_cstart, $3  }
0xc1: {  	[dreg:$0x1] =	wrdreg $0xFFFFFFFF  }
0xc2: {  	_ =	task.clear_ibuf [dreg:s7], $0x2FFFF;
	_ =	strace $0x9FFFFFFF  }
0xc3: {  	(tm) =	ssettm $0x7FFFFFFF  }
tec
execute0_lowered:
.L_overlay_start_1:
0x0: {  	(tag) =	ssettag $0x1  }
0x1: {  	s12 =	rddreg [dreg:$0x0]  }
0x2: {  	s1 =	rddreg [dreg:$0x1]  }
0x3: {  	s2 =	rddreg [dreg:$0x2]  }
0x4: {  	s3 =	simm.s32 $0x0;
	s7 =	srdreg.scid;
	s0 =	stileid.u32  }
0x5: {  	s14 =	simm.s32 $0x88200;
	s18 =	simm.s32 $0x1500;
	s19 =	simm.s32 $0x1  }
0x6: {  	s20 =	simm.s32 $0x2;
	s21 =	simm.s32 $0x80;
	s22 =	simm.s32 $0x5500  }
0x7: {  	s23 =	simm.s32 $0x1480;
	s24 =	simm.s32 $0x1380;
	s25 =	simm.s32 $0x0  }
0x8: {  	[smem:$0x7FF] =	sst s3;
	s5 =	sadd.s32 $0x10200, s12;
	s11 =	smul.u32 $0x50000, s0  }
0x9: {  	s6 =	sadd.s32 $0x3200, s12;
	s9 =	sand.u32 $0x1, s7;
	s16 =	smul.u32 $0x500, s0  }
0xa: {  	s4 =	sadd.s32 $0xDA00, s12;
	s28 =	sshll.u32 s0, $0x6;
	s17 =	smul.u32 $0x2800, s0  }
0xb: {  	_ =	strace $0x8000004A;
	s8 =	ssub.s32 $0x2, s9;
	s10 =	sshll.u32 s9, $0x4  }
0xc: {  	[dreg:$0x4] =	wrdreg s4;
	s29 =	smul.u32 $0x5000, s9;
	p0 =	seq.s32 s9, $0x1  }
0xd: {  	s9 =	sor.u32 $0x1C03, s28;
	s13 =	sshrl.u32 s8, $0x1;
	s10 =	sor.u32 s0, s10  }
0xe: {  	s11 =	sshrl.u32 s11, $0x2;
	s14 =	simm.s32 @!p0 $0x38200;
	s13 =	ssub.s32 s8, s13  }
0xf: {  	s8 =	smul.u32 $0x50, s10;
	s15 =	sadd.s32 s11, s2;
	s30 =	sadd.s32 s14, s12  }
0x10: {  	s11 =	sadd.s32 s16, s29;
	s12 =	sadd.s32 $0x3270, s12;
	s16 =	simm.s32 $0x3  }
0x11: {  	s10 =	smax.u32 s13, $0x1;
	s13 =	sadd.s32 s30, s17;
	s31 =	sadd.s32 s6, s11  }
0x12: {  	s15 =	sshrl.u32 s15, $0x3;
	s17 =	simm.s32 $0x1400;
	s14 =	sadd.s32 $0x20, s31  }
.LBB2_1:
0x13: {  	s0 =	rddreg [dreg:$0x4]  }
0x14: {  	[spmem:s15], [sflag:s9] =	dma.local [hbm:s0], $0x2800  }
0x15: {  	_ =	swait.ge [sflag:s16], $0x2800  }
0x16: {  	[sflag:s16] =	ssyncset.done $0x0  }
0x17: {  	[sflag:s16] =	ssyncadd.s32 $0xFFFFD800  }
0x18: {  	p1 =	por $0x1, $0x1;
	s29 =	simm.s32 $0x0;
	[bflag:$0x0] =	sbarrier.arrive $0xFFFF  }
.LBB2_2:
0x19: {  	s26 =	sadd.s32 s8, s29  }
0x1a: {  	s26 =	sshll.u32 s26, $0x4  }
0x1b: {  	s30 =	simm.s32 $0x0;
	s28 =	sadd.s32 s1, s26  }
0x1c: {  	[tilespmem:s30], [sflag:$0x3] =	stream.linear.gather [hbm4b:s28+s30], $0x1400, $0x38;
	[tilespmem:$0x1D500] =	vst v63  }
0x1d: {  	_ =	swait.ge [sflag:s16], $0x1400  }
0x1e: {  	[sflag:s16] =	ssyncset.done $0x0  }
0x1f: {  	s28 =	sadd.s32 s6, s26;
	[sflag:s16] =	ssyncadd.s32 $0xFFFFEC00  }
0x20: {  	[tilespmem:s17], [sflag:$0x2] =	stream.linear.gather [hbm4b:s28+s30], $0x80, $0x38;
	[tilespmem:$0x1D500] =	vst v63  }
0x21: {  	s28 =	simm.s32 $0x80  }
0x22: {  	[tilespmem:s18], [sflag:$0x1] =	stream.indirect.gather [hbm4b:s5+s28], $0x80, s30, s28, $0xb8;
	[tilespmem:$0x1D500] =	vst v63  }
0x23: {  	_ =	swait.ge [sflag:s19], $0x4000  }
0x24: {  	s31 =	sshll.u32 s29, $0x4;
	[sflag:s19] =	ssyncset.done $0x0  }
0x25: {  	s29 =	sadd.s32 s31, s11;
	[sflag:s19] =	ssyncadd.s32 $0xFFFFC000  }
0x26: {  	s0 =	sadd.s32 $0x0, s29;
	s30 =	sand.u32 $0x60, s30;
	_ =	swait.ge [sflag:s20], $0x80  }
0x27: {  	s0 =	sand.u32 $0xFFFFF80, s0;
	s30 =	sadd.s32 s30, s6;
	[sflag:s20] =	ssyncset.done $0x0  }
0x28: {  	s0 =	sadd.s32 s0, s30;
	[sflag:s20] =	ssyncadd.s32 $0xFFFFFF80  }
0x29: {  	[tilespmem:s22], [sflag:$0x1] =	stream.indirect.gather [hbm4b:s5+s21], $0x80, s28, s21, $0xb8;
	[tilespmem:$0x1D500] =	vst v63  }
0x2a: {  	s0 =	sadd.s32 $0x10, s0  }
0x2b: {  	[tilespmem:s23], [sflag:$0x2] =	stream.linear.gather [hbm4b:s0+s3], $0x80, $0x38;
	[tilespmem:$0x1D500] =	vst v63  }
0x2c: {  	_ = 	snop  }
0x2d: {  	[spmem:s2] =	stream.indirect.scatter.add.f32 [tilespmem:s18], [sflag:$0x3], $0x80, s17, s21, $0xb8;
	[tilespmem:$0x1D500] =	vst v63  }
0x2e: {  	_ =	swait.ge [sflag:s16], $0x4000  }
0x2f: {  	[sflag:s16] =	ssyncset.done $0x0  }
0x30: {  	[sflag:s16] =	ssyncadd.s32 $0xFFFFC000  }
0x31: {  	_ =	swait.ge [sflag:s19], $0x4000  }
0x32: {  	[sflag:s19] =	ssyncset.done $0x0  }
0x33: {  	[sflag:s19] =	ssyncadd.s32 $0xFFFFC000  }
0x34: {  	_ =	swait.ge [sflag:s20], $0x80  }
0x35: {  	[sflag:s20] =	ssyncset.done $0x0  }
0x36: {  	s4 =	simm.s32 $0x100;
	s30 =	sadd.s32 s31, s14;
	[sflag:s20] =	ssyncadd.s32 $0xFFFFFF80  }
0x37: {  	[tilespmem:s18], [sflag:$0x1] =	stream.indirect.gather [hbm4b:s5+s21], $0x80, s4, s21, $0xb8;
	[tilespmem:$0x1D500] =	vst v63  }
0x38: {  	s7 =	sadd.s32 $0x0, s30  }
0x39: {  	[tilespmem:s17], [sflag:$0x2] =	stream.linear.gather [hbm4b:s7+s3], $0x80, $0x38;
	[tilespmem:$0x1D500] =	vst v63  }
0x3a: {  	_ = 	snop  }
0x3b: {  	[spmem:s2] =	stream.indirect.scatter.add.f32 [tilespmem:s22], [sflag:$0x3], $0x80, s23, s21, $0xb8;
	[tilespmem:$0x1D500] =	vst v63  }
0x3c: {  	p0 =	por p1, p1;
	s31 =	simm.s32 $0x20;
	_ =	swait.ge [sflag:s16], $0x4000  }
.LBB2_3:
0x3d: {  	p1 =	sne.s32 s31, $0x240;
	[sflag:s16] =	ssyncset.done $0x0;
	s28 =	sadd.s32 $0x100, s28  }
0x3e: {  	s0 =	smov.u32 s31;
	s31 =	sadd.s32 $0x20, s31;
	[sflag:s16] =	ssyncadd.s32 $0xFFFFC000  }
0x3f: {  	_ =	swait.ge [sflag:s19], $0x4000  }
0x40: {  	[sflag:s19] =	ssyncset.done $0x0  }
0x41: {  	[sflag:s19] =	ssyncadd.s32 $0xFFFFC000  }
0x42: {  	_ =	swait.ge [sflag:s20], $0x80  }
0x43: {  	s4 =	sadd.s32 s0, s29;
	s7 =	sand.u32 $0x60, s0;
	[sflag:s20] =	ssyncset.done $0x0  }
0x44: {  	s4 =	sand.u32 $0xFFFFF80, s4;
	s7 =	sadd.s32 s7, s6;
	[sflag:s20] =	ssyncadd.s32 $0xFFFFFF80  }
0x45: {  	[tilespmem:s22], [sflag:$0x1] =	stream.indirect.gather [hbm4b:s5+s21], $0x80, s28, s21, $0xb8;
	[tilespmem:$0x1D500] =	vst v63  }
0x46: {  	s4 =	sadd.s32 s4, s7  }
0x47: {  	s4 =	sadd.s32 $0x10, s4  }
0x48: {  	[tilespmem:s23], [sflag:$0x2] =	stream.linear.gather [hbm4b:s4+s3], $0x80, $0x38;
	[tilespmem:$0x1D500] =	vst v63  }
0x49: {  	_ = 	snop  }
0x4a: {  	[spmem:s2] =	stream.indirect.scatter.add.f32 [tilespmem:s18], [sflag:$0x3], $0x80, s17, s21, $0xb8;
	[tilespmem:$0x1D500] =	vst v63  }
0x4b: {  	_ =	swait.ge [sflag:s16], $0x4000  }
0x4c: {  	[sflag:s16] =	ssyncset.done $0x0  }
0x4d: {  	[sflag:s16] =	ssyncadd.s32 $0xFFFFC000  }
0x4e: {  	_ =	swait.ge [sflag:s19], $0x4000  }
0x4f: {  	[sflag:s19] =	ssyncset.done $0x0  }
0x50: {  	[sflag:s19] =	ssyncadd.s32 $0xFFFFC000  }
0x51: {  	_ =	swait.ge [sflag:s20], $0x80  }
0x52: {  	s4 =	sadd.s32 $0x80, s28;
	[sflag:s20] =	ssyncset.done $0x0  }
0x53: {  	s0 =	sadd.s32 s0, s30;
	[sflag:s20] =	ssyncadd.s32 $0xFFFFFF80  }
0x54: {  	[tilespmem:s18], [sflag:$0x1] =	stream.indirect.gather [hbm4b:s5+s21], $0x80, s4, s21, $0xb8;
	[tilespmem:$0x1D500] =	vst v63  }
.Ltmp0:
0x55: {  	(pc) =	sbr.rel @p1 .LBB2_3-.Ltmp0, $4  }
0x56: {  	[tilespmem:s17], [sflag:$0x2] =	stream.linear.gather [hbm4b:s0+s3], $0x80, $0x38;
	[tilespmem:$0x1D500] =	vst v63  }
0x57: {  	_ = 	snop  }
0x58: {  	[spmem:s2] =	stream.indirect.scatter.add.f32 [tilespmem:s22], [sflag:$0x3], $0x80, s23, s21, $0xb8;
	[tilespmem:$0x1D500] =	vst v63  }
0x59: {  	_ =	swait.ge [sflag:s16], $0x4000  }
0x5a: {  	[sflag:s16] =	ssyncset.done $0x0  }
0x5b: {  	[sflag:s16] =	ssyncadd.s32 $0xFFFFC000  }
0x5c: {  	_ =	swait.ge [sflag:s19], $0x4000  }
0x5d: {  	[sflag:s19] =	ssyncset.done $0x0  }
0x5e: {  	[sflag:s19] =	ssyncadd.s32 $0xFFFFC000  }
0x5f: {  	_ =	swait.ge [sflag:s20], $0x80  }
0x60: {  	s0 =	sadd.s32 $0x200, s26;
	[sflag:s20] =	ssyncset.done $0x0  }
0x61: {  	s0 =	sand.u32 $0xFFFFF80, s0;
	[sflag:s20] =	ssyncadd.s32 $0xFFFFFF80  }
0x62: {  	[tilespmem:s22], [sflag:$0x1] =	stream.indirect.gather [hbm4b:s5+s21], $0x80, s24, s21, $0xb8;
	[tilespmem:$0x1D500] =	vst v63  }
0x63: {  	s0 =	sadd.s32 s0, s12  }
0x64: {  	[tilespmem:s23], [sflag:$0x2] =	stream.linear.gather [hbm4b:s0+s3], $0x80, $0x38;
	[tilespmem:$0x1D500] =	vst v63  }
0x65: {  	_ = 	snop  }
0x66: {  	[spmem:s2] =	stream.indirect.scatter.add.f32 [tilespmem:s18], [sflag:$0x3], $0x80, s17, s21, $0xb8;
	[tilespmem:$0x1D500] =	vst v63  }
0x67: {  	_ =	swait.ge [sflag:s16], $0x4000  }
0x68: {  	[sflag:s16] =	ssyncset.done $0x0  }
0x69: {  	[sflag:s16] =	ssyncadd.s32 $0xFFFFC000  }
0x6a: {  	_ =	swait.ge [sflag:s19], $0x4000  }
0x6b: {  	[sflag:s19] =	ssyncset.done $0x0  }
0x6c: {  	[sflag:s19] =	ssyncadd.s32 $0xFFFFC000  }
0x6d: {  	_ =	swait.ge [sflag:s20], $0x80  }
0x6e: {  	[sflag:s20] =	ssyncset.done $0x0  }
.Ltmp1:
0x6f: {  	[sflag:s20] =	ssyncadd.s32 $0xFFFFFF80;
	(pc) =	sbr.rel @p0 .LBB2_2-.Ltmp1, $4  }
0x70: {  	[spmem:s2] =	stream.indirect.scatter.add.f32 [tilespmem:s22], [sflag:$0x3], $0x80, s23, s21, $0xb8;
	[tilespmem:$0x1D500] =	vst v63  }
0x71: {  	_ =	swait.ge [sflag:s16], $0x4000  }
0x72: {  	[sflag:s16] =	ssyncset.done $0x0  }
0x73: {  	s29 =	simm.s32 $0x28;
	p1 =	por $0x0, $0x0;
	[sflag:s16] =	ssyncadd.s32 $0xFFFFC000  }
0x74: {  	s25 =	sadd.s32 $0x1, s25  }
0x75: {  	p0 =	sne.s32 s25, s10  }
.Ltmp2:
0x76: {  	[bflag:$0x0] =	sbarrier.arrive $0xFFFF;
	(pc) =	sbr.rel @p0 .LBB2_1-.Ltmp2, $4  }
0x77: {  	[hbm:s13], [sflag:s9] =	dma.local [spmem:s15], $0x2800  }
0x78: {  	_ =	swait.ge [sflag:s16], $0x2800  }
0x79: {  	[sflag:s16] =	ssyncset.done $0x0  }
0x7a: {  	[sflag:s16] =	ssyncadd.s32 $0xFFFFD800  }
0x7b: {  	_ =	sfence.sel $0x180000  }
0x7c: {  	[bflag:$0x0] =	sbarrier.arrive $0xFFFF  }
0x7d: {  	_ =	strace $0x9000004A  }
0x7e: {  	s0 =	stileid.u32;
	[bflag:$0x2] =	sbarrier.arrive $0xFFFF  }
0x7f: {  	p0 =	sne.s32 s0, $0x0;
	s0 =	rddreg [dreg:$0x3]  }
0x80: {  	s0 =	sadd.s32 @!p0 $0x100000, s0  }
0x81: {  	[sflag:s0] =	ssyncadd.tile.s32 @!p0 $0x1;
	_ =	shalt  }
.Lfunc_end2:
_tile_overlayer_lowered:
.L_overlay_start_2:
0x82: {  	(tag) =	ssettag $0x2  }
0x83: {  	s0 =	rddreg [dreg:$0x0];
	s2 =	stileid.u32  }
0x84: {  	s1 =	rddreg [dreg:$0x1];
	p0 =	sne.s32 s2, $0x0  }
0x85: {  	s3 =	rddreg [dreg:$0x2];
	[bflag:$0x3] =	sbarrier.arrive $0xFFFF;
	s2 =	simm.s32 @!p0 $0x1C03  }
0x86: {  	[timem:s3], [sflag:s2] =	dma.local @!p0 [hbm:s0], s1  }
0x87: {  	s0 =	simm.s32 @!p0 $0x3  }
0x88: {  	_ =	swait.ge @!p0 [sflag:s0], s1  }
0x89: {  	s1 =	ssub.s32 @!p0 $0x0, s1;
	[sflag:s0] =	ssyncset.done @!p0 $0x0  }
0x8a: {  	[sflag:s0] =	ssyncadd.s32 @!p0 s1  }
0x8b: {  	[bflag:$0x3] =	sbarrier.arrive $0xFFFF  }
0x8c: {  	_ =	shalt  }

// kernel: kernel.15.cloned.1.call-start
scs
__scs_entry_jumppad:
0x0: {  	(pc) =	sbr.rel $0x88, $3  }
0x1: {  	(tag) =	ssettag $0x0;
	lr =	simm.s32 $0x1  }
0x2: {  	[smem:$0x3F9B] =	sst lr;
	_ =	strace $0xD0000000  }
0x3: {  	_ = 	snop  }
0x4: {  	_ = 	snop  }
0x5: {  	_ = 	snop  }
0x6: {  	_ = 	snop  }
0x7: {  	_ = 	snop  }
__scs_overlays_trampoline_lowered:
0x8: {  	[smem:$0x3FAA] =	sst s0  }
0x9: {  	[smem:$0x3FAB] =	sst s1  }
0xa: {  	[smem:$0x3FAC] =	sst s2  }
0xb: {  	[smem:$0x3FAD] =	sst s3  }
0xc: {  	[smem:$0x3FAE] =	sst s4  }
0xd: {  	[smem:$0x3FAF] =	sst s5  }
0xe: {  	[smem:$0x3FB0] =	sst s6  }
0xf: {  	[smem:$0x3FB1] =	sst s7  }
0x10: {  	[smem:$0x3FB2] =	sst s8  }
0x11: {  	[smem:$0x3FB3] =	sst s9;
	s0 =	simm.s32 @!p0 $0x0  }
0x12: {  	s1 =	sld [smem:$0x3F99];
	s0 =	simm.s32 @p0 $0x1  }
0x13: {  	[smem:$0x3FB4] =	sst s0;
	s0 =	simm.s32 @!p1 $0x0  }
0x14: {  	s2 =	sld [smem:$0x3F98];
	s0 =	simm.s32 @p1 $0x1  }
0x15: {  	[smem:$0x3FB5] =	sst s0;
	s0 =	simm.s32 @!p2 $0x0  }
0x16: {  	s3 =	sld [smem:$0x3FDB];
	s0 =	simm.s32 @p2 $0x1  }
0x17: {  	s4 =	simm.s32 $0x1BF5;
	[smem:$0x3FB7] =	sst s0  }
0x18: {  	s0 =	sld [smem:$0x3F9A];
	_ =	swait.ge [sflag:s4], $0x0  }
0x19: {  	s7 =	sld [smem:$0x3F9B]  }
0x1a: {  	s8 =	sadd.s32 $0xFFFFE003, lr  }
0x1b: {  	s9 =	sadd.s32 $0xFFFFFEF7, lr;
	s5 =	simm.s32 $0xFFFFFFFF;
	p2 =	slt.u32 s8, $0xFFFFF086  }
0x1c: {  	p1 =	slt.u32 s9, $0xF7A;
	s5 =	simm.s32 @!p2 $0x0  }
0x1d: {  	s5 =	simm.s32 @p1 $0x1;
	p0 =	seq.s32 s7, s2  }
0x1e: {  	s7 =	smul.u32 @!p0 $0xF7A, s2;
	p2 =	seq.s32 @!p0 s5, $0x0  }
0x1f: {  	s9 =	smul.u32 $0xF7A, s1;
	s8 =	simm.s32 @!p0 $0x1BF5;
	p2 =	por !p2, p0  }
0x20: {  	[sflag:s8] =	ssyncset.s32 @!p0 $0xFFFFF086;
	s6 =	sadd.s32 @!p0 s3, s7;
	s7 =	simm.s32 @!p0 $0x108  }
0x21: {  	s3 =	sadd.s32 s3, s9;
	s6 =	sadd.s32 @!p0 $0x88, s6;
	s7 =	simm.s32 @p2 $0x1082  }
0x22: {  	[simem:s7], [sflag:s8] =	dma.local @!p0 [hbm:s6], $0xF7A  }
0x23: {  	s9 =	sor.u32 $0xD0000000, s2;
	s6 =	simm.s32 $0x108;
	_ =	swait.ge @!p0 [sflag:s8], $0x0  }
0x24: {  	s3 =	sadd.s32 $0x88, s3;
	s6 =	simm.s32 @!p1 $0x1082;
	[sflag:s4] =	ssyncset.s32 $0xFFFFF086  }
0x25: {  	[simem:s6], [sflag:s4] =	dma.local [hbm:s3], $0xF7A  }
0x26: {  	[smem:$0x3F9B] =	sst s1;
	(tag) =	ssettag s2;
	_ =	strace s9  }
0x27: {  	s1 =	sld [smem:$0x3FAB]  }
0x28: {  	s2 =	sld [smem:$0x3FAC]  }
0x29: {  	s4 =	sld [smem:$0x3FAE]  }
0x2a: {  	p0 =	seq.s32 s5, $0x0;
	s5 =	sld [smem:$0x3FAF]  }
0x2b: {  	s6 =	sld [smem:$0x3FB0]  }
0x2c: {  	s7 =	sld [smem:$0x3FB1]  }
0x2d: {  	s3 =	simm.s32 $0x108;
	s8 =	sld [smem:$0x3FB2]  }
0x2e: {  	s3 =	simm.s32 @!p0 $0x1082;
	s9 =	sld [smem:$0x3FB3]  }
0x2f: {  	lr =	sadd.s32 s0, s3;
	s0 =	sld [smem:$0x3FAA]  }
0x30: {  	s3 =	sld [smem:$0x3FAD]  }
0x31: {  	[smem:$0x3FB6] =	sst s10  }
0x32: {  	s10 =	sld [smem:$0x3FB4];
	_ =	sdelay $0x3  }
0x33: {  	p0 =	seq.s32 s10, $0x1;
	s10 =	sld [smem:$0x3FB6];
	_ =	sdelay $0x3  }
0x34: {  	[smem:$0x3FB6] =	sst s10  }
0x35: {  	s10 =	sld [smem:$0x3FB5];
	_ =	sdelay $0x3  }
0x36: {  	p1 =	seq.s32 s10, $0x1;
	s10 =	sld [smem:$0x3FB6];
	_ =	sdelay $0x3  }
0x37: {  	[smem:$0x3FB6] =	sst s10  }
0x38: {  	s10 =	sld [smem:$0x3FB7]  }
0x39: {  	_ = 	snop;
	(pc) =	sbr.ind lr, $3  }
0x3a: {  	_ = 	snop  }
0x3b: {  	_ = 	snop  }
0x3c: {  	p2 =	seq.s32 s10, $0x1;
	s10 =	sld [smem:$0x3FB6]  }
0x3d: {  	_ =	shalt  }
0x3e: {  	_ =	shalt  }
0x3f: {  	_ =	shalt  }
0x40: {  	_ =	shalt  }
0x41: {  	_ =	shalt  }
0x42: {  	_ =	shalt  }
0x43: {  	_ =	shalt  }
0x44: {  	_ =	shalt  }
0x45: {  	_ =	shalt  }
0x46: {  	_ =	shalt  }
0x47: {  	_ =	shalt  }
0x48: {  	_ =	shalt  }
0x49: {  	_ =	shalt  }
0x4a: {  	_ =	shalt  }
0x4b: {  	_ =	shalt  }
0x4c: {  	_ =	shalt  }
0x4d: {  	_ =	shalt  }
0x4e: {  	_ =	shalt  }
0x4f: {  	_ =	shalt  }
0x50: {  	_ =	shalt  }
0x51: {  	_ =	shalt  }
0x52: {  	_ =	shalt  }
0x53: {  	_ =	shalt  }
0x54: {  	_ =	shalt  }
0x55: {  	_ =	shalt  }
0x56: {  	_ =	shalt  }
0x57: {  	_ =	shalt  }
0x58: {  	_ =	shalt  }
0x59: {  	_ =	shalt  }
0x5a: {  	_ =	shalt  }
0x5b: {  	_ =	shalt  }
0x5c: {  	_ =	shalt  }
0x5d: {  	_ =	shalt  }
0x5e: {  	_ =	shalt  }
0x5f: {  	_ =	shalt  }
0x60: {  	_ =	shalt  }
0x61: {  	_ =	shalt  }
0x62: {  	_ =	shalt  }
0x63: {  	_ =	shalt  }
0x64: {  	_ =	shalt  }
0x65: {  	_ =	shalt  }
0x66: {  	_ =	shalt  }
0x67: {  	_ =	shalt  }
0x68: {  	_ =	shalt  }
0x69: {  	_ =	shalt  }
0x6a: {  	_ =	shalt  }
0x6b: {  	_ =	shalt  }
0x6c: {  	_ =	shalt  }
0x6d: {  	_ =	shalt  }
0x6e: {  	_ =	shalt  }
0x6f: {  	_ =	shalt  }
0x70: {  	_ =	shalt  }
0x71: {  	_ =	shalt  }
0x72: {  	_ =	shalt  }
0x73: {  	_ =	shalt  }
0x74: {  	_ =	shalt  }
0x75: {  	_ =	shalt  }
0x76: {  	_ =	shalt  }
0x77: {  	_ =	shalt  }
0x78: {  	_ =	shalt  }
0x79: {  	_ =	shalt  }
0x7a: {  	_ =	shalt  }
0x7b: {  	_ =	shalt  }
0x7c: {  	_ =	shalt  }
0x7d: {  	_ =	shalt  }
0x7e: {  	_ =	shalt  }
0x7f: {  	_ =	shalt  }
0x80: {  	_ =	shalt  }
0x81: {  	_ =	shalt  }
0x82: {  	_ =	shalt  }
0x83: {  	_ =	shalt  }
0x84: {  	_ =	shalt  }
0x85: {  	_ =	shalt  }
0x86: {  	_ =	shalt  }
0x87: {  	_ =	shalt  }
.Lfunc_end0:
.L_simem_size_0:
called_computation.2_lowered:
.L_overlay_start_0:
0x88: {  	s2 =	sld [smem:$0x3FD9]  }
0x89: {  	s3 =	sld [smem:$0x3FFE];
	_ =	sdelay $0x1  }
0x8a: {  	s1 =	srdreg.scid  }
0x8b: {  	s0 =	sand.u32 $0x1, s1  }
0x8c: {  	s17 =	sshll.u32 s0, $0xA;
	s2 =	sadd.s32 s3, s2  }
0x8d: {  	s2 =	sadd.s32 s2, s17  }
0x8e: {  	[smem:$0x3FC2] =	sst s2  }
0x8f: {  	_ = 	snop  }
0x90: {  	s2 =	sld [smem:$0x3FD0];
	(tm) =	ssettm $0x1  }
0x91: {  	s18 =	sld [smem:$0x3FFB];
	_ =	sdelay $0x3  }
0x92: {  	_ =	strace s18  }
0x93: {  	s3 =	sld [smem:$0x3FFC];
	_ =	sdelay $0x3  }
0x94: {  	_ =	strace s3  }
0x95: {  	s3 =	sld [smem:$0x3FFD];
	_ =	sdelay $0x3  }
0x96: {  	_ =	strace s3  }
0x97: {  	_ =	strace $0x8FFFFFFF  }
0x98: {  	s19 =	sld [smem:$0x3FDB];
	_ =	sdelay $0x1  }
0x99: {  	s4 =	simm.s32 $_scs_section_size  }
0x9a: {  	s5 =	simm.s32 $_size__tile_overlayer_lowered;
	s6 =	simm.s32 $_tile_overlayer_lowered  }
0x9b: {  	s22 =	simm.s32 $0x1BFF;
	s21 =	sshll.u32 s6, $0x1;
	s3 =	sadd.s32 s4, s19  }
0x9c: {  	s7 =	simm.s32 $0x0;
	s20 =	sshll.u32 s5, $0x1;
	s5 =	sadd.s32 s21, s3  }
0x9d: {  	[timem:s7], [sflag:s22] =	dma.local [hbm:s5], s20  }
0x9e: {  	_ =	swait.ge [sflag:s22], s20  }
0x9f: {  	s4 =	ssub.s32 $0x0, s20;
	[sflag:s22] =	ssyncset.done $0x0  }
0xa0: {  	[sflag:s22] =	ssyncadd.s32 s4;
	_ =	sdelay $0x1  }
0xa1: {  	s23 =	simm.s32 $0x1B8B  }
0xa2: {  	_ =	swait.ge [sflag:s23], $0x1  }
0xa3: {  	[sflag:s23] =	ssyncset.done $0x0  }
0xa4: {  	s25 =	simm.s32 $0x1B8E;
	s24 =	sld [smem:$0x3FFE];
	[sflag:s23] =	ssyncadd.s32 $0xFFFFFFFF  }
0xa5: {  	s26 =	simm.s32 $execute0_lowered;
	[smem:$0x3FD2] =	sst s25  }
0xa6: {  	s5 =	sshll.u32 s26, $0x1;
	_ =	strace $0x8000004C;
	[dreg:$0x1] =	wrdreg $0xFFFFFFFF  }
0xa7: {  	s28 =	simm.s32 $_size_execute0_lowered;
	s3 =	sadd.s32 s3, s5;
	[dreg:$0x0] =	wrdreg $0x0  }
0xa8: {  	s5 =	sshll.u32 s28, $0x1;
	[dreg:$0x2] =	wrdreg s3  }
0xa9: {  	[dreg:$0x3] =	wrdreg s5  }
0xaa: {  	[dreg:$0x4] =	wrdreg $0xC0  }
0xab: {  	_ =	task [dreg:s7], $0x5FFFF  }
0xac: {  	[dreg:$0x1] =	wrdreg $0xFFFFFFFF  }
0xad: {  	[dreg:$0x0] =	wrdreg $0x60  }
0xae: {  	[dreg:$0x2] =	wrdreg s24  }
0xaf: {  	[dreg:$0x3] =	wrdreg s2  }
0xb0: {  	[dreg:$0x4] =	wrdreg $0x95000  }
0xb1: {  	[dreg:$0x5] =	wrdreg $0x9  }
0xb2: {  	_ =	task.clear_ibuf [dreg:s7], $0x6FFFF;
	_ =	strace $0x9000004C  }
0xb3: {  	s29 =	simm.s32 $0x9;
	_ =	strace $0x8000004E  }
0xb4: {  	_ =	swait.ge [sflag:s29], $0x1  }
0xb5: {  	[sflag:s29] =	ssyncadd.s32 $0xFFFFFFFF  }
0xb6: {  	_ =	strace $0x9000004E  }
0xb7: {  	_ =	sfence  }
0xb8: {  	s30 =	sld [smem:$0x0];
	_ =	sdelay $0x2  }
0xb9: {  	s31 =	sshll.u32 s1, $0xD;
	s1 =	sshrl.u32 s1, $0x2  }
0xba: {  	s3 =	sand.u32 $0x4000, s31;
	s1 =	sadd.s32 s1, s30  }
0xbb: {  	s0 =	sor.u32 s3, s0;
	s1 =	sshll.u32 s1, $0x11  }
0xbc: {  	s0 =	sor.u32 s1, s0  }
0xbd: {  	s0 =	sadd.s32 $0x8F2B, s0  }
0xbe: {  	[sflag:s0] =	ssyncadd.remote.s32 $0x1  }
0xbf: {  	_ =	sfence.sel $0xFFFF  }
0xc0: {  	[dreg:$0x0] =	wrdreg $0xFFFFFFFF;
	(pc) =	sbr.abs _section_cstart, $3  }
0xc1: {  	[dreg:$0x1] =	wrdreg $0xFFFFFFFF  }
0xc2: {  	_ =	task.clear_ibuf [dreg:s7], $0x2FFFF;
	_ =	strace $0x9FFFFFFF  }
0xc3: {  	(tm) =	ssettm $0x7FFFFFFF  }
tec
execute0_lowered:
.L_overlay_start_1:
0x0: {  	(tag) =	ssettag $0x1  }
0x1: {  	s12 =	rddreg [dreg:$0x0]  }
0x2: {  	s1 =	rddreg [dreg:$0x1]  }
0x3: {  	s2 =	rddreg [dreg:$0x2]  }
0x4: {  	s3 =	simm.s32 $0x0;
	s7 =	srdreg.scid;
	s0 =	stileid.u32  }
0x5: {  	s14 =	simm.s32 $0x88200;
	s18 =	simm.s32 $0x1500;
	s19 =	simm.s32 $0x1  }
0x6: {  	s20 =	simm.s32 $0x2;
	s21 =	simm.s32 $0x80;
	s22 =	simm.s32 $0x5500  }
0x7: {  	s23 =	simm.s32 $0x1480;
	s24 =	simm.s32 $0x1380;
	s25 =	simm.s32 $0x0  }
0x8: {  	[smem:$0x7FF] =	sst s3;
	s5 =	sadd.s32 $0x10200, s12;
	s11 =	smul.u32 $0x50000, s0  }
0x9: {  	s6 =	sadd.s32 $0x3200, s12;
	s9 =	sand.u32 $0x1, s7;
	s16 =	smul.u32 $0x500, s0  }
0xa: {  	s4 =	sadd.s32 $0xDA00, s12;
	s28 =	sshll.u32 s0, $0x6;
	s17 =	smul.u32 $0x2800, s0  }
0xb: {  	_ =	strace $0x8000004D;
	s8 =	ssub.s32 $0x2, s9;
	s10 =	sshll.u32 s9, $0x4  }
0xc: {  	[dreg:$0x4] =	wrdreg s4;
	s29 =	smul.u32 $0x5000, s9;
	p0 =	seq.s32 s9, $0x1  }
0xd: {  	s9 =	sor.u32 $0x1C03, s28;
	s13 =	sshrl.u32 s8, $0x1;
	s10 =	sor.u32 s0, s10  }
0xe: {  	s11 =	sshrl.u32 s11, $0x2;
	s14 =	simm.s32 @!p0 $0x60200;
	s13 =	ssub.s32 s8, s13  }
0xf: {  	s8 =	smul.u32 $0x50, s10;
	s15 =	sadd.s32 s11, s2;
	s30 =	sadd.s32 s14, s12  }
0x10: {  	s11 =	sadd.s32 s16, s29;
	s12 =	sadd.s32 $0x3270, s12;
	s16 =	simm.s32 $0x3  }
0x11: {  	s10 =	smax.u32 s13, $0x1;
	s13 =	sadd.s32 s30, s17;
	s31 =	sadd.s32 s6, s11  }
0x12: {  	s15 =	sshrl.u32 s15, $0x3;
	s17 =	simm.s32 $0x1400;
	s14 =	sadd.s32 $0x20, s31  }
.LBB2_1:
0x13: {  	s0 =	rddreg [dreg:$0x4]  }
0x14: {  	[spmem:s15], [sflag:s9] =	dma.local [hbm:s0], $0x2800  }
0x15: {  	_ =	swait.ge [sflag:s16], $0x2800  }
0x16: {  	[sflag:s16] =	ssyncset.done $0x0  }
0x17: {  	[sflag:s16] =	ssyncadd.s32 $0xFFFFD800  }
0x18: {  	p1 =	por $0x1, $0x1;
	s29 =	simm.s32 $0x0;
	[bflag:$0x0] =	sbarrier.arrive $0xFFFF  }
.LBB2_2:
0x19: {  	s26 =	sadd.s32 s8, s29  }
0x1a: {  	s26 =	sshll.u32 s26, $0x4  }
0x1b: {  	s30 =	simm.s32 $0x0;
	s28 =	sadd.s32 s1, s26  }
0x1c: {  	[tilespmem:s30], [sflag:$0x3] =	stream.linear.gather [hbm4b:s28+s30], $0x1400, $0x38;
	[tilespmem:$0x1D500] =	vst v63  }
0x1d: {  	_ =	swait.ge [sflag:s16], $0x1400  }
0x1e: {  	[sflag:s16] =	ssyncset.done $0x0  }
0x1f: {  	s28 =	sadd.s32 s6, s26;
	[sflag:s16] =	ssyncadd.s32 $0xFFFFEC00  }
0x20: {  	[tilespmem:s17], [sflag:$0x2] =	stream.linear.gather [hbm4b:s28+s30], $0x80, $0x38;
	[tilespmem:$0x1D500] =	vst v63  }
0x21: {  	s28 =	simm.s32 $0x80  }
0x22: {  	[tilespmem:s18], [sflag:$0x1] =	stream.indirect.gather [hbm4b:s5+s28], $0x80, s30, s28, $0xb8;
	[tilespmem:$0x1D500] =	vst v63  }
0x23: {  	_ =	swait.ge [sflag:s19], $0x4000  }
0x24: {  	s31 =	sshll.u32 s29, $0x4;
	[sflag:s19] =	ssyncset.done $0x0  }
0x25: {  	s29 =	sadd.s32 s31, s11;
	[sflag:s19] =	ssyncadd.s32 $0xFFFFC000  }
0x26: {  	s0 =	sadd.s32 $0x0, s29;
	s30 =	sand.u32 $0x60, s30;
	_ =	swait.ge [sflag:s20], $0x80  }
0x27: {  	s0 =	sand.u32 $0xFFFFF80, s0;
	s30 =	sadd.s32 s30, s6;
	[sflag:s20] =	ssyncset.done $0x0  }
0x28: {  	s0 =	sadd.s32 s0, s30;
	[sflag:s20] =	ssyncadd.s32 $0xFFFFFF80  }
0x29: {  	[tilespmem:s22], [sflag:$0x1] =	stream.indirect.gather [hbm4b:s5+s21], $0x80, s28, s21, $0xb8;
	[tilespmem:$0x1D500] =	vst v63  }
0x2a: {  	s0 =	sadd.s32 $0x10, s0  }
0x2b: {  	[tilespmem:s23], [sflag:$0x2] =	stream.linear.gather [hbm4b:s0+s3], $0x80, $0x38;
	[tilespmem:$0x1D500] =	vst v63  }
0x2c: {  	_ = 	snop  }
0x2d: {  	[spmem:s2] =	stream.indirect.scatter.add.f32 [tilespmem:s18], [sflag:$0x3], $0x80, s17, s21, $0xb8;
	[tilespmem:$0x1D500] =	vst v63  }
0x2e: {  	_ =	swait.ge [sflag:s16], $0x4000  }
0x2f: {  	[sflag:s16] =	ssyncset.done $0x0  }
0x30: {  	[sflag:s16] =	ssyncadd.s32 $0xFFFFC000  }
0x31: {  	_ =	swait.ge [sflag:s19], $0x4000  }
0x32: {  	[sflag:s19] =	ssyncset.done $0x0  }
0x33: {  	[sflag:s19] =	ssyncadd.s32 $0xFFFFC000  }
0x34: {  	_ =	swait.ge [sflag:s20], $0x80  }
0x35: {  	[sflag:s20] =	ssyncset.done $0x0  }
0x36: {  	s4 =	simm.s32 $0x100;
	s30 =	sadd.s32 s31, s14;
	[sflag:s20] =	ssyncadd.s32 $0xFFFFFF80  }
0x37: {  	[tilespmem:s18], [sflag:$0x1] =	stream.indirect.gather [hbm4b:s5+s21], $0x80, s4, s21, $0xb8;
	[tilespmem:$0x1D500] =	vst v63  }
0x38: {  	s7 =	sadd.s32 $0x0, s30  }
0x39: {  	[tilespmem:s17], [sflag:$0x2] =	stream.linear.gather [hbm4b:s7+s3], $0x80, $0x38;
	[tilespmem:$0x1D500] =	vst v63  }
0x3a: {  	_ = 	snop  }
0x3b: {  	[spmem:s2] =	stream.indirect.scatter.add.f32 [tilespmem:s22], [sflag:$0x3], $0x80, s23, s21, $0xb8;
	[tilespmem:$0x1D500] =	vst v63  }
0x3c: {  	p0 =	por p1, p1;
	s31 =	simm.s32 $0x20;
	_ =	swait.ge [sflag:s16], $0x4000  }
.LBB2_3:
0x3d: {  	p1 =	sne.s32 s31, $0x240;
	[sflag:s16] =	ssyncset.done $0x0;
	s28 =	sadd.s32 $0x100, s28  }
0x3e: {  	s0 =	smov.u32 s31;
	s31 =	sadd.s32 $0x20, s31;
	[sflag:s16] =	ssyncadd.s32 $0xFFFFC000  }
0x3f: {  	_ =	swait.ge [sflag:s19], $0x4000  }
0x40: {  	[sflag:s19] =	ssyncset.done $0x0  }
0x41: {  	[sflag:s19] =	ssyncadd.s32 $0xFFFFC000  }
0x42: {  	_ =	swait.ge [sflag:s20], $0x80  }
0x43: {  	s4 =	sadd.s32 s0, s29;
	s7 =	sand.u32 $0x60, s0;
	[sflag:s20] =	ssyncset.done $0x0  }
0x44: {  	s4 =	sand.u32 $0xFFFFF80, s4;
	s7 =	sadd.s32 s7, s6;
	[sflag:s20] =	ssyncadd.s32 $0xFFFFFF80  }
0x45: {  	[tilespmem:s22], [sflag:$0x1] =	stream.indirect.gather [hbm4b:s5+s21], $0x80, s28, s21, $0xb8;
	[tilespmem:$0x1D500] =	vst v63  }
0x46: {  	s4 =	sadd.s32 s4, s7  }
0x47: {  	s4 =	sadd.s32 $0x10, s4  }
0x48: {  	[tilespmem:s23], [sflag:$0x2] =	stream.linear.gather [hbm4b:s4+s3], $0x80, $0x38;
	[tilespmem:$0x1D500] =	vst v63  }
0x49: {  	_ = 	snop  }
0x4a: {  	[spmem:s2] =	stream.indirect.scatter.add.f32 [tilespmem:s18], [sflag:$0x3], $0x80, s17, s21, $0xb8;
	[tilespmem:$0x1D500] =	vst v63  }
0x4b: {  	_ =	swait.ge [sflag:s16], $0x4000  }
0x4c: {  	[sflag:s16] =	ssyncset.done $0x0  }
0x4d: {  	[sflag:s16] =	ssyncadd.s32 $0xFFFFC000  }
0x4e: {  	_ =	swait.ge [sflag:s19], $0x4000  }
0x4f: {  	[sflag:s19] =	ssyncset.done $0x0  }
0x50: {  	[sflag:s19] =	ssyncadd.s32 $0xFFFFC000  }
0x51: {  	_ =	swait.ge [sflag:s20], $0x80  }
0x52: {  	s4 =	sadd.s32 $0x80, s28;
	[sflag:s20] =	ssyncset.done $0x0  }
0x53: {  	s0 =	sadd.s32 s0, s30;
	[sflag:s20] =	ssyncadd.s32 $0xFFFFFF80  }
0x54: {  	[tilespmem:s18], [sflag:$0x1] =	stream.indirect.gather [hbm4b:s5+s21], $0x80, s4, s21, $0xb8;
	[tilespmem:$0x1D500] =	vst v63  }
.Ltmp0:
0x55: {  	(pc) =	sbr.rel @p1 .LBB2_3-.Ltmp0, $4  }
0x56: {  	[tilespmem:s17], [sflag:$0x2] =	stream.linear.gather [hbm4b:s0+s3], $0x80, $0x38;
	[tilespmem:$0x1D500] =	vst v63  }
0x57: {  	_ = 	snop  }
0x58: {  	[spmem:s2] =	stream.indirect.scatter.add.f32 [tilespmem:s22], [sflag:$0x3], $0x80, s23, s21, $0xb8;
	[tilespmem:$0x1D500] =	vst v63  }
0x59: {  	_ =	swait.ge [sflag:s16], $0x4000  }
0x5a: {  	[sflag:s16] =	ssyncset.done $0x0  }
0x5b: {  	[sflag:s16] =	ssyncadd.s32 $0xFFFFC000  }
0x5c: {  	_ =	swait.ge [sflag:s19], $0x4000  }
0x5d: {  	[sflag:s19] =	ssyncset.done $0x0  }
0x5e: {  	[sflag:s19] =	ssyncadd.s32 $0xFFFFC000  }
0x5f: {  	_ =	swait.ge [sflag:s20], $0x80  }
0x60: {  	s0 =	sadd.s32 $0x200, s26;
	[sflag:s20] =	ssyncset.done $0x0  }
0x61: {  	s0 =	sand.u32 $0xFFFFF80, s0;
	[sflag:s20] =	ssyncadd.s32 $0xFFFFFF80  }
0x62: {  	[tilespmem:s22], [sflag:$0x1] =	stream.indirect.gather [hbm4b:s5+s21], $0x80, s24, s21, $0xb8;
	[tilespmem:$0x1D500] =	vst v63  }
0x63: {  	s0 =	sadd.s32 s0, s12  }
0x64: {  	[tilespmem:s23], [sflag:$0x2] =	stream.linear.gather [hbm4b:s0+s3], $0x80, $0x38;
	[tilespmem:$0x1D500] =	vst v63  }
0x65: {  	_ = 	snop  }
0x66: {  	[spmem:s2] =	stream.indirect.scatter.add.f32 [tilespmem:s18], [sflag:$0x3], $0x80, s17, s21, $0xb8;
	[tilespmem:$0x1D500] =	vst v63  }
0x67: {  	_ =	swait.ge [sflag:s16], $0x4000  }
0x68: {  	[sflag:s16] =	ssyncset.done $0x0  }
0x69: {  	[sflag:s16] =	ssyncadd.s32 $0xFFFFC000  }
0x6a: {  	_ =	swait.ge [sflag:s19], $0x4000  }
0x6b: {  	[sflag:s19] =	ssyncset.done $0x0  }
0x6c: {  	[sflag:s19] =	ssyncadd.s32 $0xFFFFC000  }
0x6d: {  	_ =	swait.ge [sflag:s20], $0x80  }
0x6e: {  	[sflag:s20] =	ssyncset.done $0x0  }
.Ltmp1:
0x6f: {  	[sflag:s20] =	ssyncadd.s32 $0xFFFFFF80;
	(pc) =	sbr.rel @p0 .LBB2_2-.Ltmp1, $4  }
0x70: {  	[spmem:s2] =	stream.indirect.scatter.add.f32 [tilespmem:s22], [sflag:$0x3], $0x80, s23, s21, $0xb8;
	[tilespmem:$0x1D500] =	vst v63  }
0x71: {  	_ =	swait.ge [sflag:s16], $0x4000  }
0x72: {  	[sflag:s16] =	ssyncset.done $0x0  }
0x73: {  	s29 =	simm.s32 $0x28;
	p1 =	por $0x0, $0x0;
	[sflag:s16] =	ssyncadd.s32 $0xFFFFC000  }
0x74: {  	s25 =	sadd.s32 $0x1, s25  }
0x75: {  	p0 =	sne.s32 s25, s10  }
.Ltmp2:
0x76: {  	[bflag:$0x0] =	sbarrier.arrive $0xFFFF;
	(pc) =	sbr.rel @p0 .LBB2_1-.Ltmp2, $4  }
0x77: {  	[hbm:s13], [sflag:s9] =	dma.local [spmem:s15], $0x2800  }
0x78: {  	_ =	swait.ge [sflag:s16], $0x2800  }
0x79: {  	[sflag:s16] =	ssyncset.done $0x0  }
0x7a: {  	[sflag:s16] =	ssyncadd.s32 $0xFFFFD800  }
0x7b: {  	_ =	sfence.sel $0x180000  }
0x7c: {  	[bflag:$0x0] =	sbarrier.arrive $0xFFFF  }
0x7d: {  	_ =	strace $0x9000004D  }
0x7e: {  	s0 =	stileid.u32;
	[bflag:$0x2] =	sbarrier.arrive $0xFFFF  }
0x7f: {  	p0 =	sne.s32 s0, $0x0;
	s0 =	rddreg [dreg:$0x3]  }
0x80: {  	s0 =	sadd.s32 @!p0 $0x100000, s0  }
0x81: {  	[sflag:s0] =	ssyncadd.tile.s32 @!p0 $0x1;
	_ =	shalt  }
.Lfunc_end2:
_tile_overlayer_lowered:
.L_overlay_start_2:
0x82: {  	(tag) =	ssettag $0x2  }
0x83: {  	s0 =	rddreg [dreg:$0x0];
	s2 =	stileid.u32  }
0x84: {  	s1 =	rddreg [dreg:$0x1];
	p0 =	sne.s32 s2, $0x0  }
0x85: {  	s3 =	rddreg [dreg:$0x2];
	[bflag:$0x3] =	sbarrier.arrive $0xFFFF;
	s2 =	simm.s32 @!p0 $0x1C03  }
0x86: {  	[timem:s3], [sflag:s2] =	dma.local @!p0 [hbm:s0], s1  }
0x87: {  	s0 =	simm.s32 @!p0 $0x3  }
0x88: {  	_ =	swait.ge @!p0 [sflag:s0], s1  }
0x89: {  	s1 =	ssub.s32 @!p0 $0x0, s1;
	[sflag:s0] =	ssyncset.done @!p0 $0x0  }
0x8a: {  	[sflag:s0] =	ssyncadd.s32 @!p0 s1  }
0x8b: {  	[bflag:$0x3] =	sbarrier.arrive $0xFFFF  }
0x8c: {  	_ =	shalt  }

// kernel: kernel.9.cloned.1.call-start
scs
__scs_entry_jumppad:
0x0: {  	(pc) =	sbr.rel $0x88, $3  }
0x1: {  	(tag) =	ssettag $0x0;
	lr =	simm.s32 $0x1  }
0x2: {  	[smem:$0x3F9B] =	sst lr;
	_ =	strace $0xD0000000  }
0x3: {  	_ = 	snop  }
0x4: {  	_ = 	snop  }
0x5: {  	_ = 	snop  }
0x6: {  	_ = 	snop  }
0x7: {  	_ = 	snop  }
__scs_overlays_trampoline_lowered:
0x8: {  	[smem:$0x3FAA] =	sst s0  }
0x9: {  	[smem:$0x3FAB] =	sst s1  }
0xa: {  	[smem:$0x3FAC] =	sst s2  }
0xb: {  	[smem:$0x3FAD] =	sst s3  }
0xc: {  	[smem:$0x3FAE] =	sst s4  }
0xd: {  	[smem:$0x3FAF] =	sst s5  }
0xe: {  	[smem:$0x3FB0] =	sst s6  }
0xf: {  	[smem:$0x3FB1] =	sst s7  }
0x10: {  	[smem:$0x3FB2] =	sst s8  }
0x11: {  	[smem:$0x3FB3] =	sst s9;
	s0 =	simm.s32 @!p0 $0x0  }
0x12: {  	s1 =	sld [smem:$0x3F99];
	s0 =	simm.s32 @p0 $0x1  }
0x13: {  	[smem:$0x3FB4] =	sst s0;
	s0 =	simm.s32 @!p1 $0x0  }
0x14: {  	s2 =	sld [smem:$0x3F98];
	s0 =	simm.s32 @p1 $0x1  }
0x15: {  	[smem:$0x3FB5] =	sst s0;
	s0 =	simm.s32 @!p2 $0x0  }
0x16: {  	s3 =	sld [smem:$0x3FDB];
	s0 =	simm.s32 @p2 $0x1  }
0x17: {  	s4 =	simm.s32 $0x1BF5;
	[smem:$0x3FB7] =	sst s0  }
0x18: {  	s0 =	sld [smem:$0x3F9A];
	_ =	swait.ge [sflag:s4], $0x0  }
0x19: {  	s7 =	sld [smem:$0x3F9B]  }
0x1a: {  	s8 =	sadd.s32 $0xFFFFE003, lr  }
0x1b: {  	s9 =	sadd.s32 $0xFFFFFEF7, lr;
	s5 =	simm.s32 $0xFFFFFFFF;
	p2 =	slt.u32 s8, $0xFFFFF086  }
0x1c: {  	p1 =	slt.u32 s9, $0xF7A;
	s5 =	simm.s32 @!p2 $0x0  }
0x1d: {  	s5 =	simm.s32 @p1 $0x1;
	p0 =	seq.s32 s7, s2  }
0x1e: {  	s7 =	smul.u32 @!p0 $0xF7A, s2;
	p2 =	seq.s32 @!p0 s5, $0x0  }
0x1f: {  	s9 =	smul.u32 $0xF7A, s1;
	s8 =	simm.s32 @!p0 $0x1BF5;
	p2 =	por !p2, p0  }
0x20: {  	[sflag:s8] =	ssyncset.s32 @!p0 $0xFFFFF086;
	s6 =	sadd.s32 @!p0 s3, s7;
	s7 =	simm.s32 @!p0 $0x108  }
0x21: {  	s3 =	sadd.s32 s3, s9;
	s6 =	sadd.s32 @!p0 $0x88, s6;
	s7 =	simm.s32 @p2 $0x1082  }
0x22: {  	[simem:s7], [sflag:s8] =	dma.local @!p0 [hbm:s6], $0xF7A  }
0x23: {  	s9 =	sor.u32 $0xD0000000, s2;
	s6 =	simm.s32 $0x108;
	_ =	swait.ge @!p0 [sflag:s8], $0x0  }
0x24: {  	s3 =	sadd.s32 $0x88, s3;
	s6 =	simm.s32 @!p1 $0x1082;
	[sflag:s4] =	ssyncset.s32 $0xFFFFF086  }
0x25: {  	[simem:s6], [sflag:s4] =	dma.local [hbm:s3], $0xF7A  }
0x26: {  	[smem:$0x3F9B] =	sst s1;
	(tag) =	ssettag s2;
	_ =	strace s9  }
0x27: {  	s1 =	sld [smem:$0x3FAB]  }
0x28: {  	s2 =	sld [smem:$0x3FAC]  }
0x29: {  	s4 =	sld [smem:$0x3FAE]  }
0x2a: {  	p0 =	seq.s32 s5, $0x0;
	s5 =	sld [smem:$0x3FAF]  }
0x2b: {  	s6 =	sld [smem:$0x3FB0]  }
0x2c: {  	s7 =	sld [smem:$0x3FB1]  }
0x2d: {  	s3 =	simm.s32 $0x108;
	s8 =	sld [smem:$0x3FB2]  }
0x2e: {  	s3 =	simm.s32 @!p0 $0x1082;
	s9 =	sld [smem:$0x3FB3]  }
0x2f: {  	lr =	sadd.s32 s0, s3;
	s0 =	sld [smem:$0x3FAA]  }
0x30: {  	s3 =	sld [smem:$0x3FAD]  }
0x31: {  	[smem:$0x3FB6] =	sst s10  }
0x32: {  	s10 =	sld [smem:$0x3FB4];
	_ =	sdelay $0x3  }
0x33: {  	p0 =	seq.s32 s10, $0x1;
	s10 =	sld [smem:$0x3FB6];
	_ =	sdelay $0x3  }
0x34: {  	[smem:$0x3FB6] =	sst s10  }
0x35: {  	s10 =	sld [smem:$0x3FB5];
	_ =	sdelay $0x3  }
0x36: {  	p1 =	seq.s32 s10, $0x1;
	s10 =	sld [smem:$0x3FB6];
	_ =	sdelay $0x3  }
0x37: {  	[smem:$0x3FB6] =	sst s10  }
0x38: {  	s10 =	sld [smem:$0x3FB7]  }
0x39: {  	_ = 	snop;
	(pc) =	sbr.ind lr, $3  }
0x3a: {  	_ = 	snop  }
0x3b: {  	_ = 	snop  }
0x3c: {  	p2 =	seq.s32 s10, $0x1;
	s10 =	sld [smem:$0x3FB6]  }
0x3d: {  	_ =	shalt  }
0x3e: {  	_ =	shalt  }
0x3f: {  	_ =	shalt  }
0x40: {  	_ =	shalt  }
0x41: {  	_ =	shalt  }
0x42: {  	_ =	shalt  }
0x43: {  	_ =	shalt  }
0x44: {  	_ =	shalt  }
0x45: {  	_ =	shalt  }
0x46: {  	_ =	shalt  }
0x47: {  	_ =	shalt  }
0x48: {  	_ =	shalt  }
0x49: {  	_ =	shalt  }
0x4a: {  	_ =	shalt  }
0x4b: {  	_ =	shalt  }
0x4c: {  	_ =	shalt  }
0x4d: {  	_ =	shalt  }
0x4e: {  	_ =	shalt  }
0x4f: {  	_ =	shalt  }
0x50: {  	_ =	shalt  }
0x51: {  	_ =	shalt  }
0x52: {  	_ =	shalt  }
0x53: {  	_ =	shalt  }
0x54: {  	_ =	shalt  }
0x55: {  	_ =	shalt  }
0x56: {  	_ =	shalt  }
0x57: {  	_ =	shalt  }
0x58: {  	_ =	shalt  }
0x59: {  	_ =	shalt  }
0x5a: {  	_ =	shalt  }
0x5b: {  	_ =	shalt  }
0x5c: {  	_ =	shalt  }
0x5d: {  	_ =	shalt  }
0x5e: {  	_ =	shalt  }
0x5f: {  	_ =	shalt  }
0x60: {  	_ =	shalt  }
0x61: {  	_ =	shalt  }
0x62: {  	_ =	shalt  }
0x63: {  	_ =	shalt  }
0x64: {  	_ =	shalt  }
0x65: {  	_ =	shalt  }
0x66: {  	_ =	shalt  }
0x67: {  	_ =	shalt  }
0x68: {  	_ =	shalt  }
0x69: {  	_ =	shalt  }
0x6a: {  	_ =	shalt  }
0x6b: {  	_ =	shalt  }
0x6c: {  	_ =	shalt  }
0x6d: {  	_ =	shalt  }
0x6e: {  	_ =	shalt  }
0x6f: {  	_ =	shalt  }
0x70: {  	_ =	shalt  }
0x71: {  	_ =	shalt  }
0x72: {  	_ =	shalt  }
0x73: {  	_ =	shalt  }
0x74: {  	_ =	shalt  }
0x75: {  	_ =	shalt  }
0x76: {  	_ =	shalt  }
0x77: {  	_ =	shalt  }
0x78: {  	_ =	shalt  }
0x79: {  	_ =	shalt  }
0x7a: {  	_ =	shalt  }
0x7b: {  	_ =	shalt  }
0x7c: {  	_ =	shalt  }
0x7d: {  	_ =	shalt  }
0x7e: {  	_ =	shalt  }
0x7f: {  	_ =	shalt  }
0x80: {  	_ =	shalt  }
0x81: {  	_ =	shalt  }
0x82: {  	_ =	shalt  }
0x83: {  	_ =	shalt  }
0x84: {  	_ =	shalt  }
0x85: {  	_ =	shalt  }
0x86: {  	_ =	shalt  }
0x87: {  	_ =	shalt  }
.Lfunc_end0:
.L_simem_size_0:
called_computation_lowered:
.L_overlay_start_0:
0x88: {  	s2 =	sld [smem:$0x3FD9]  }
0x89: {  	s3 =	sld [smem:$0x3FFE];
	_ =	sdelay $0x1  }
0x8a: {  	s1 =	srdreg.scid  }
0x8b: {  	s0 =	sand.u32 $0x1, s1  }
0x8c: {  	s16 =	sshll.u32 s0, $0xA;
	s2 =	sadd.s32 s3, s2  }
0x8d: {  	s2 =	sadd.s32 s2, s16  }
0x8e: {  	[smem:$0x3FC2] =	sst s2  }
0x8f: {  	_ = 	snop  }
0x90: {  	(tm) =	ssettm $0x1  }
0x91: {  	s17 =	sld [smem:$0x3FFB];
	_ =	sdelay $0x3  }
0x92: {  	_ =	strace s17  }
0x93: {  	s2 =	sld [smem:$0x3FFC];
	_ =	sdelay $0x3  }
0x94: {  	_ =	strace s2  }
0x95: {  	s2 =	sld [smem:$0x3FFD];
	_ =	sdelay $0x3  }
0x96: {  	_ =	strace s2  }
0x97: {  	_ =	strace $0x8FFFFFFF  }
0x98: {  	s18 =	sld [smem:$0x3FDB];
	_ =	sdelay $0x1  }
0x99: {  	s19 =	simm.s32 $_scs_section_size  }
0x9a: {  	s4 =	simm.s32 $_size__tile_overlayer_lowered;
	s5 =	simm.s32 $_tile_overlayer_lowered  }
0x9b: {  	s22 =	simm.s32 $0x1BFF;
	s21 =	sshll.u32 s5, $0x1;
	s2 =	sadd.s32 s19, s18  }
0x9c: {  	s6 =	simm.s32 $0x0;
	s20 =	sshll.u32 s4, $0x1;
	s4 =	sadd.s32 s21, s2  }
0x9d: {  	[timem:s6], [sflag:s22] =	dma.local [hbm:s4], s20  }
0x9e: {  	_ =	swait.ge [sflag:s22], s20  }
0x9f: {  	s3 =	ssub.s32 $0x0, s20;
	[sflag:s22] =	ssyncset.done $0x0  }
0xa0: {  	[sflag:s22] =	ssyncadd.s32 s3;
	_ =	sdelay $0x1  }
0xa1: {  	s23 =	simm.s32 $0x1B8B  }
0xa2: {  	_ =	swait.ge [sflag:s23], $0x1  }
0xa3: {  	[sflag:s23] =	ssyncset.done $0x0  }
0xa4: {  	s25 =	simm.s32 $0x1B8E;
	s24 =	sld [smem:$0x3FFE];
	[sflag:s23] =	ssyncadd.s32 $0xFFFFFFFF  }
0xa5: {  	s26 =	simm.s32 $execute0_lowered;
	[smem:$0x3FD2] =	sst s25  }
0xa6: {  	s4 =	sshll.u32 s26, $0x1;
	_ =	strace $0x80000046;
	[dreg:$0x1] =	wrdreg $0xFFFFFFFF  }
0xa7: {  	s28 =	simm.s32 $_size_execute0_lowered;
	s2 =	sadd.s32 s2, s4;
	[dreg:$0x0] =	wrdreg $0x0  }
0xa8: {  	s4 =	sshll.u32 s28, $0x1;
	[dreg:$0x2] =	wrdreg s2  }
0xa9: {  	[dreg:$0x3] =	wrdreg s4  }
0xaa: {  	[dreg:$0x4] =	wrdreg $0xC0  }
0xab: {  	_ =	task [dreg:s6], $0x5FFFF  }
0xac: {  	[dreg:$0x1] =	wrdreg $0xFFFFFFFF  }
0xad: {  	[dreg:$0x0] =	wrdreg $0x60  }
0xae: {  	[dreg:$0x2] =	wrdreg s24  }
0xaf: {  	[dreg:$0x3] =	wrdreg $0x41000  }
0xb0: {  	[dreg:$0x4] =	wrdreg $0x9  }
0xb1: {  	_ =	task.clear_ibuf [dreg:s6], $0x5FFFF;
	_ =	strace $0x90000046  }
0xb2: {  	s29 =	simm.s32 $0x9;
	_ =	strace $0x80000048  }
0xb3: {  	_ =	swait.ge [sflag:s29], $0x1  }
0xb4: {  	[sflag:s29] =	ssyncadd.s32 $0xFFFFFFFF  }
0xb5: {  	_ =	strace $0x90000048  }
0xb6: {  	_ =	sfence  }
0xb7: {  	s30 =	sld [smem:$0x0];
	_ =	sdelay $0x2  }
0xb8: {  	s31 =	sshll.u32 s1, $0xD;
	s1 =	sshrl.u32 s1, $0x2  }
0xb9: {  	s3 =	sand.u32 $0x4000, s31;
	s1 =	sadd.s32 s1, s30  }
0xba: {  	s0 =	sor.u32 s3, s0;
	s1 =	sshll.u32 s1, $0x11  }
0xbb: {  	s0 =	sor.u32 s1, s0  }
0xbc: {  	s0 =	sadd.s32 $0x8F2B, s0  }
0xbd: {  	[sflag:s0] =	ssyncadd.remote.s32 $0x1  }
0xbe: {  	_ =	sfence.sel $0xFFFF  }
0xbf: {  	[dreg:$0x0] =	wrdreg $0xFFFFFFFF;
	(pc) =	sbr.abs _section_cstart, $3  }
0xc0: {  	[dreg:$0x1] =	wrdreg $0xFFFFFFFF  }
0xc1: {  	_ =	task.clear_ibuf [dreg:s6], $0x2FFFF;
	_ =	strace $0x9FFFFFFF  }
0xc2: {  	(tm) =	ssettm $0x7FFFFFFF  }
0xc3: {  	_ =	shalt  }
tec
execute0_lowered:
.L_overlay_start_1:
0x0: {  	(tag) =	ssettag $0x1  }
0x1: {  	s12 =	rddreg [dreg:$0x0]  }
0x2: {  	s1 =	rddreg [dreg:$0x1]  }
0x3: {  	s0 =	rddreg [dreg:$0x2];
	s2 =	simm.s32 $0x0;
	s6 =	srdreg.scid  }
0x4: {  	s3 =	stileid.u32;
	s16 =	simm.s32 $0x38200;
	s17 =	simm.s32 $0x1  }
0x5: {  	s18 =	simm.s32 $0x4080;
	s19 =	simm.s32 $0x80;
	s20 =	simm.s32 $0x0  }
0x6: {  	[smem:$0x7FF] =	sst s2;
	s4 =	sadd.s32 $0x3200, s12;
	s10 =	smul.u32 $0x50000, s3  }
0x7: {  	s5 =	sadd.s32 $0xD200, s12;
	s9 =	sand.u32 $0x1, s6;
	s13 =	smul.u32 $0x500, s3  }
0x8: {  	s6 =	sadd.s32 $0xDA00, s12;
	s30 =	sshll.u32 s3, $0x6;
	s15 =	smul.u32 $0x2800, s3  }
0x9: {  	_ =	strace $0x80000047;
	s7 =	ssub.s32 $0x2, s9;
	s8 =	sshll.u32 s9, $0x4  }
0xa: {  	s31 =	smul.u32 $0x5000, s9;
	p0 =	seq.s32 s9, $0x1;
	s11 =	sshrl.u32 s7, $0x1  }
0xb: {  	s8 =	sor.u32 s3, s8;
	s29 =	sshrl.u32 s10, $0x2;
	s16 =	simm.s32 @!p0 $0x10200  }
0xc: {  	s11 =	ssub.s32 s7, s11;
	s8 =	smul.u32 $0x500, s8;
	s14 =	sadd.s32 s29, s1  }
0xd: {  	s7 =	sor.u32 $0x1C02, s30;
	s10 =	sadd.s32 s13, s31;
	s12 =	sadd.s32 s16, s12  }
0xe: {  	s16 =	simm.s32 $0x4000;
	s9 =	smax.u32 s11, $0x1;
	s13 =	sadd.s32 s4, s10  }
0xf: {  	s12 =	sadd.s32 s12, s15;
	s14 =	sshrl.u32 s14, $0x3;
	s8 =	sadd.s32 s4, s8  }
0x10: {  	s15 =	simm.s32 $0x2;
	s13 =	sadd.s32 $0x20, s13;
	s11 =	sadd.s32 $0x4F0, s8  }
.LBB2_1:
0x11: {  	[spmem:s14], [sflag:s7] =	dma.local [hbm:s6], $0x2800  }
0x12: {  	_ =	swait.ge [sflag:s15], $0x2800  }
0x13: {  	[sflag:s15] =	ssyncset.done $0x0  }
0x14: {  	[sflag:s15] =	ssyncadd.s32 $0xFFFFD800  }
0x15: {  	[tilespmem:s2], [sflag:$0x2] =	stream.linear.gather [hbm4b:s5+s2], $0x4000, $0x38;
	[tilespmem:$0x18100] =	vst v63  }
0x16: {  	_ =	swait.ge [sflag:s15], $0x4000  }
0x17: {  	[sflag:s15] =	ssyncset.done $0x0  }
0x18: {  	[sflag:s15] =	ssyncadd.s32 $0xFFFFC000  }
0x19: {  	[tilespmem:s16], [sflag:$0x1] =	stream.linear.gather [hbm4b:s8+s2], $0x80, $0x38;
	[tilespmem:$0x18100] =	vst v63  }
0x1a: {  	s21 =	sadd.s32 $0x0, s10;
	s22 =	sand.u32 $0x60, s2;
	[bflag:$0x0] =	sbarrier.arrive $0xFFFF  }
0x1b: {  	s21 =	sand.u32 $0xFFFFF80, s21;
	s22 =	sadd.s32 s22, s4;
	_ =	swait.ge [sflag:s17], $0x80  }
0x1c: {  	s21 =	sadd.s32 s21, s22;
	[sflag:s17] =	ssyncset.done $0x0  }
0x1d: {  	s21 =	sadd.s32 $0x10, s21;
	[sflag:s17] =	ssyncadd.s32 $0xFFFFFF80  }
0x1e: {  	[tilespmem:s18], [sflag:$0x1] =	stream.linear.gather [hbm4b:s21+s2], $0x80, $0x38;
	[tilespmem:$0x18100] =	vst v63  }
0x1f: {  	_ = 	snop  }
0x20: {  	[spmem:s1] =	stream.indirect.scatter.add.f32 [tilespmem:s2], [sflag:$0x2], $0x80, s16, s19, $0xb8;
	[tilespmem:$0x18100] =	vst v63  }
0x21: {  	_ =	swait.ge [sflag:s15], $0x4000  }
0x22: {  	[sflag:s15] =	ssyncset.done $0x0  }
0x23: {  	[sflag:s15] =	ssyncadd.s32 $0xFFFFC000  }
0x24: {  	_ =	swait.ge [sflag:s17], $0x80  }
0x25: {  	[sflag:s17] =	ssyncset.done $0x0  }
0x26: {  	s31 =	sadd.s32 $0x0, s13;
	[sflag:s17] =	ssyncadd.s32 $0xFFFFFF80  }
0x27: {  	[tilespmem:s16], [sflag:$0x1] =	stream.linear.gather [hbm4b:s31+s2], $0x80, $0x38;
	[tilespmem:$0x18100] =	vst v63  }
0x28: {  	_ = 	snop  }
0x29: {  	[spmem:s1] =	stream.indirect.scatter.add.f32 [tilespmem:s2], [sflag:$0x2], $0x80, s18, s19, $0xb8;
	[tilespmem:$0x18100] =	vst v63  }
0x2a: {  	_ =	swait.ge [sflag:s15], $0x4000  }
0x2b: {  	s21 =	simm.s32 $0x20;
	[sflag:s15] =	ssyncset.done $0x0  }
.LBB2_2:
0x2c: {  	p0 =	sne.s32 s21, $0x4C0  }
0x2d: {  	[sflag:s15] =	ssyncadd.s32 $0xFFFFC000;
	s22 =	smov.u32 s21;
	s21 =	sadd.s32 $0x20, s21  }
0x2e: {  	s23 =	sadd.s32 s22, s10;
	s24 =	sand.u32 $0x60, s22  }
0x2f: {  	_ =	swait.ge [sflag:s17], $0x80;
	s23 =	sand.u32 $0xFFFFF80, s23;
	s24 =	sadd.s32 s24, s4  }
0x30: {  	[sflag:s17] =	ssyncset.done $0x0;
	s23 =	sadd.s32 s23, s24  }
0x31: {  	[sflag:s17] =	ssyncadd.s32 $0xFFFFFF80;
	s23 =	sadd.s32 $0x10, s23  }
0x32: {  	[tilespmem:s18], [sflag:$0x1] =	stream.linear.gather [hbm4b:s23+s2], $0x80, $0x38;
	[tilespmem:$0x18100] =	vst v63  }
0x33: {  	_ = 	snop  }
0x34: {  	[spmem:s1] =	stream.indirect.scatter.add.f32 [tilespmem:s2], [sflag:$0x2], $0x80, s16, s19, $0xb8;
	[tilespmem:$0x18100] =	vst v63  }
0x35: {  	_ =	swait.ge [sflag:s15], $0x4000  }
0x36: {  	[sflag:s15] =	ssyncset.done $0x0  }
0x37: {  	[sflag:s15] =	ssyncadd.s32 $0xFFFFC000  }
0x38: {  	_ =	swait.ge [sflag:s17], $0x80  }
0x39: {  	[sflag:s17] =	ssyncset.done $0x0  }
0x3a: {  	s22 =	sadd.s32 s22, s13;
	[sflag:s17] =	ssyncadd.s32 $0xFFFFFF80  }
0x3b: {  	[tilespmem:s16], [sflag:$0x1] =	stream.linear.gather [hbm4b:s22+s2], $0x80, $0x38;
	[tilespmem:$0x18100] =	vst v63  }
.Ltmp0:
0x3c: {  	_ = 	snop;
	(pc) =	sbr.rel @p0 .LBB2_2-.Ltmp0, $4  }
0x3d: {  	_ = 	snop  }
0x3e: {  	[spmem:s1] =	stream.indirect.scatter.add.f32 [tilespmem:s2], [sflag:$0x2], $0x80, s18, s19, $0xb8;
	[tilespmem:$0x18100] =	vst v63  }
0x3f: {  	_ =	swait.ge [sflag:s15], $0x4000  }
0x40: {  	[sflag:s15] =	ssyncset.done $0x0  }
0x41: {  	[sflag:s15] =	ssyncadd.s32 $0xFFFFC000  }
0x42: {  	_ =	swait.ge [sflag:s17], $0x80  }
0x43: {  	[sflag:s17] =	ssyncset.done $0x0  }
0x44: {  	[sflag:s17] =	ssyncadd.s32 $0xFFFFFF80  }
0x45: {  	[tilespmem:s18], [sflag:$0x1] =	stream.linear.gather [hbm4b:s11+s2], $0x80, $0x38;
	[tilespmem:$0x18100] =	vst v63  }
0x46: {  	_ = 	snop  }
0x47: {  	[spmem:s1] =	stream.indirect.scatter.add.f32 [tilespmem:s2], [sflag:$0x2], $0x80, s16, s19, $0xb8;
	[tilespmem:$0x18100] =	vst v63  }
0x48: {  	_ =	swait.ge [sflag:s15], $0x4000  }
0x49: {  	[sflag:s15] =	ssyncset.done $0x0  }
0x4a: {  	[sflag:s15] =	ssyncadd.s32 $0xFFFFC000  }
0x4b: {  	_ =	swait.ge [sflag:s17], $0x80  }
0x4c: {  	[sflag:s17] =	ssyncset.done $0x0  }
0x4d: {  	[sflag:s17] =	ssyncadd.s32 $0xFFFFFF80  }
0x4e: {  	[spmem:s1] =	stream.indirect.scatter.add.f32 [tilespmem:s2], [sflag:$0x2], $0x80, s18, s19, $0xb8;
	[tilespmem:$0x18100] =	vst v63  }
0x4f: {  	_ =	swait.ge [sflag:s15], $0x4000  }
0x50: {  	s20 =	sadd.s32 $0x1, s20;
	[sflag:s15] =	ssyncset.done $0x0  }
0x51: {  	p0 =	sne.s32 s20, s9;
	[sflag:s15] =	ssyncadd.s32 $0xFFFFC000  }
.Ltmp1:
0x52: {  	[bflag:$0x0] =	sbarrier.arrive $0xFFFF;
	(pc) =	sbr.rel @p0 .LBB2_1-.Ltmp1, $4  }
0x53: {  	[hbm:s12], [sflag:s7] =	dma.local [spmem:s14], $0x2800  }
0x54: {  	_ =	swait.ge [sflag:s15], $0x2800  }
0x55: {  	[sflag:s15] =	ssyncset.done $0x0  }
0x56: {  	[sflag:s15] =	ssyncadd.s32 $0xFFFFD800  }
0x57: {  	_ =	sfence.sel $0x180000  }
0x58: {  	[bflag:$0x0] =	sbarrier.arrive $0xFFFF  }
0x59: {  	p0 =	sne.s32 s3, $0x0;
	_ =	strace $0x90000047  }
0x5a: {  	s0 =	sadd.s32 @!p0 $0x100000, s0;
	[bflag:$0x2] =	sbarrier.arrive $0xFFFF  }
0x5b: {  	[sflag:s0] =	ssyncadd.tile.s32 @!p0 $0x1;
	_ =	shalt  }
.Lfunc_end2:
_tile_overlayer_lowered:
.L_overlay_start_2:
0x5c: {  	(tag) =	ssettag $0x2  }
0x5d: {  	s0 =	rddreg [dreg:$0x0];
	s2 =	stileid.u32  }
0x5e: {  	s1 =	rddreg [dreg:$0x1];
	p0 =	sne.s32 s2, $0x0  }
0x5f: {  	s3 =	rddreg [dreg:$0x2];
	[bflag:$0x3] =	sbarrier.arrive $0xFFFF;
	s2 =	simm.s32 @!p0 $0x1C02  }
0x60: {  	[timem:s3], [sflag:s2] =	dma.local @!p0 [hbm:s0], s1  }
0x61: {  	s0 =	simm.s32 @!p0 $0x2  }
0x62: {  	_ =	swait.ge @!p0 [sflag:s0], s1  }
0x63: {  	s1 =	ssub.s32 @!p0 $0x0, s1;
	[sflag:s0] =	ssyncset.done @!p0 $0x0  }
0x64: {  	[sflag:s0] =	ssyncadd.s32 @!p0 s1  }
0x65: {  	[bflag:$0x3] =	sbarrier.arrive $0xFFFF  }
0x66: {  	_ =	shalt  }

</sc_bundles>
